<compile_context>
chip_gen: v7x
topology: tpu7x:2x2x1
jax: 0.10.2.dev20260603
libtpu: 0.0.44.dev20260713+nightly
codegen_flags: <defaults>
</compile_context>

<pallas_src>
import functools

import jax
import jax.numpy as jnp
from jax import lax
from jax.experimental import pallas as pl
from jax.experimental.pallas import tpu as pltpu
from jax.experimental.pallas import tpu_sc as plsc

D = 128
N_CLIQ_PAD = 5008
DUMMY_CLIQUE = 5000
DUMMY_NODE = 5000
NUM_CORES = 2
NUM_SUBCORES = 16
NW = NUM_CORES * NUM_SUBCORES
ACC_ROWS = 5120
ROWS_PER_SUB = ACC_ROWS // NUM_SUBCORES
CHUNK = 88
QPI = 6
RING = 3
ITERS_PER_W = 19
EDGES_PER_W = CHUNK * QPI * ITERS_PER_W
E_PAD = EDGES_PER_W * NW


def _sc_segment_sum(table, cli, nod, zeros_init, ones_rows):
  mesh = plsc.VectorSubcoreMesh(core_axis_name="c", subcore_axis_name="s")

  @functools.partial(
      pl.kernel,
      out_type=jax.ShapeDtypeStruct((NUM_CORES, 2, ACC_ROWS, D), jnp.float32),
      mesh=mesh,
      scratch_types=(
          [pltpu.VMEM((CHUNK,), jnp.int32)] * RING
          + [pltpu.VMEM((CHUNK,), jnp.int32)] * QPI
          + [pltpu.VMEM((CHUNK, D), jnp.float32)] * RING
          + [pltpu.VMEM((CHUNK, D), jnp.float32)]
          + [pltpu.VMEM_SHARED((ACC_ROWS, D), jnp.float32)] * 2
          + [pltpu.SemaphoreType.DMA] * (RING + QPI + RING + RING + QPI)
      ),
  )
  def k(table_hbm, cli_hbm, nod_hbm, zero_hbm, ones_hbm, out_hbm, *scr):
    cli_v = scr[0:RING]
    nod_v = scr[RING:RING + QPI]
    rows_v = scr[RING + QPI:2 * RING + QPI]
    ones_v = scr[2 * RING + QPI]
    acc_sh = scr[2 * RING + QPI + 1]
    cnt_sh = scr[2 * RING + QPI + 2]
    sems = scr[2 * RING + QPI + 3:]
    sem_ic = sems[0:RING]
    sem_in = sems[RING:RING + QPI]
    sem_g = sems[RING + QPI:2 * RING + QPI]
    sem_s = sems[2 * RING + QPI:3 * RING + QPI]
    sem_c = sems[3 * RING + QPI:]

    c = lax.axis_index("c")
    s = lax.axis_index("s")
    wid = s * NUM_CORES + c
    r0 = pl.multiple_of(s * ROWS_PER_SUB, 8)

    pltpu.sync_copy(ones_hbm, ones_v)
    pltpu.sync_copy(zero_hbm.at[pl.ds(r0, ROWS_PER_SUB)],
                    acc_sh.at[pl.ds(r0, ROWS_PER_SUB)])
    pltpu.sync_copy(zero_hbm.at[pl.ds(r0, ROWS_PER_SUB)],
                    cnt_sh.at[pl.ds(r0, ROWS_PER_SUB)])
    plsc.subcore_barrier()

    base0 = wid * EDGES_PER_W

    def drain_cnt(q):
      pltpu.make_async_copy(ones_v, cnt_sh.at[nod_v[q]], sem_c[q]).wait()

    def drain_sum(r, q):
      pltpu.make_async_copy(rows_v[r], acc_sh.at[nod_v[q]], sem_s[r]).wait()

    def body(t, carry):
      @pl.when(t >= 1)
      def _():
        for q in range(QPI):
          drain_cnt(q)
        for j in range(RING):
          drain_sum(j, RING + j)

      def fire_idx(q):
        base = pl.multiple_of(base0 + (t * QPI + q) * CHUNK, 8)
        hc = pltpu.async_copy(cli_hbm.at[pl.ds(base, CHUNK)], cli_v[q % RING],
                              sem_ic[q % RING])
        hn = pltpu.async_copy(nod_hbm.at[pl.ds(base, CHUNK)], nod_v[q],
                              sem_in[q])
        return hc, hn

      iA = [fire_idx(q) for q in range(RING)]
      gA = []
      for q in range(RING):
        iA[q][0].wait()
        gA.append(pltpu.async_copy(table_hbm.at[cli_v[q]], rows_v[q],
                                   sem_g[q]))
      sA = []
      for q in range(RING):
        gA[q].wait()
        iA[q][1].wait()
        sA.append(pltpu.async_copy(rows_v[q], acc_sh.at[nod_v[q]], sem_s[q],
                                   add=True))
        pltpu.async_copy(ones_v, cnt_sh.at[nod_v[q]], sem_c[q], add=True)

      iB = [fire_idx(q) for q in range(RING, QPI)]
      gB = []
      for j in range(RING):
        q = RING + j
        iB[j][0].wait()
        sA[j].wait()
        gB.append(pltpu.async_copy(table_hbm.at[cli_v[q % RING]], rows_v[j],
                                   sem_g[j]))
      for j in range(RING):
        q = RING + j
        gB[j].wait()
        iB[j][1].wait()
        pltpu.async_copy(rows_v[j], acc_sh.at[nod_v[q]], sem_s[j], add=True)
        pltpu.async_copy(ones_v, cnt_sh.at[nod_v[q]], sem_c[q], add=True)
      return carry

    lax.fori_loop(0, ITERS_PER_W, body, 0)

    for q in range(QPI):
      drain_cnt(q)
    for j in range(RING):
      drain_sum(j, RING + j)

    plsc.subcore_barrier()
    pltpu.sync_copy(acc_sh.at[pl.ds(r0, ROWS_PER_SUB)],
                    out_hbm.at[c, 0, pl.ds(r0, ROWS_PER_SUB)])
    pltpu.sync_copy(cnt_sh.at[pl.ds(r0, ROWS_PER_SUB)],
                    out_hbm.at[c, 1, pl.ds(r0, ROWS_PER_SUB)])

  return k(table, cli, nod, zeros_init, ones_rows)


def _tc_combine(partials, wt, b_row):
  def body(p_ref, wt_ref, b_ref, o_ref):
    ssum = p_ref[0, 0] + p_ref[1, 0]
    cnt = jnp.maximum(p_ref[0, 1] + p_ref[1, 1], 1.0)
    mean = ssum / cnt
    o_ref[...] = (
        jnp.dot(mean, wt_ref[...], preferred_element_type=jnp.float32)
        + b_ref[...]
    )

  return pl.pallas_call(
      body,
      out_shape=jax.ShapeDtypeStruct((ACC_ROWS, D), jnp.float32),
  )(partials, wt, b_row)


def kernel(x, x_clique, node2clique_index, W, b):
  n = x.shape[0]
  n_cliq = x_clique.shape[0]
  nod = node2clique_index[0].astype(jnp.int32)
  cli = node2clique_index[1].astype(jnp.int32)
  pad = E_PAD - nod.shape[0]
  nod_p = jnp.concatenate([nod, jnp.full((pad,), DUMMY_NODE, jnp.int32)])
  cli_p = jnp.concatenate([cli, jnp.full((pad,), DUMMY_CLIQUE, jnp.int32)])

  table = jnp.zeros((N_CLIQ_PAD, D), jnp.float32)
  table = table.at[:n_cliq].set(x_clique)
  zeros_init = jnp.zeros((ACC_ROWS, D), jnp.float32)
  ones_rows = jnp.ones((CHUNK, D), jnp.float32)

  partials = _sc_segment_sum(table, cli_p, nod_p, zeros_init, ones_rows)
  out_top = _tc_combine(partials, W.T, b.reshape(1, D))
  bottom = jnp.broadcast_to(b.reshape(1, D), (n - n_cliq, D))
  return jnp.concatenate([out_top[:n_cliq], bottom], axis=0)

# --- scband reference (transcript-rebuilt; emitter-appended) ---
"""Pipeline reference for scband-clique2-node-conv-basic-3547642987231 (READ-ONLY COPY).

The authoritative reference and input builder live on the scoring server;
editing this copy changes nothing except your own understanding.
"""

import jax, jax.numpy as jnp
import numpy as np

N_NODES = 10000
N_CLIQUES = 5000
N_EDGES = 320000
D = 128

def setup_inputs(seed: int = 0) -> dict:
    key = jax.random.key(seed)
    k0, k1, k2, k3 = jax.random.split(key, 4)
    x = jax.random.normal(k0, (N_NODES, D), dtype=jnp.float32)
    x_clique = jax.random.normal(k1, (N_CLIQUES, D), dtype=jnp.float32)
    node2clique_index = jax.random.randint(k2, (2, N_EDGES), 0, N_CLIQUES, dtype=jnp.int64)
    W = jax.random.normal(k3, (D, D), dtype=jnp.float32) * (1.0 / np.sqrt(D))
    b = jnp.zeros((D,), dtype=jnp.float32)
    return {"x": x, "x_clique": x_clique, "node2clique_index": node2clique_index, "W": W, "b": b}

def reference(x, x_clique, node2clique_index, W, b):
    node_idx = node2clique_index[0]
    clique_idx = node2clique_index[1]
    n = x.shape[0]
    gathered = jnp.take(x_clique, clique_idx, axis=0)
    s = jax.ops.segment_sum(gathered, node_idx, num_segments=n)
    cnt = jax.ops.segment_sum(jnp.ones((gathered.shape[0],), dtype=x.dtype), node_idx, num_segments=n)
    mean = s / jnp.clip(cnt, 1.0, None)[:, None]
    out = mean @ W.T + b
    return out

if __name__ == "__main__":
    import jax
    _d = setup_inputs()
    print(jax.jit(kernel)(*tuple(_d.values())))

</pallas_src>

<mosaic_0001>
#map = affine_map<(d0, d1) -> (0, 0)>
#map1 = affine_map<(d0, d1) -> (0)>
#map2 = affine_map<(d0, d1) -> (0, 0, 0, 0)>
module attributes {stable_mosaic.version = 14 : i64} {
  func.func @k(%arg0: i32, %arg1: i32, %arg2: memref<5008x128xf32, #tpu.memory_space<hbm>>, %arg3: memref<321024xi32, #tpu.memory_space<hbm>>, %arg4: memref<321024xi32, #tpu.memory_space<hbm>>, %arg5: memref<5120x128xf32, #tpu.memory_space<hbm>>, %arg6: memref<88x128xf32, #tpu.memory_space<hbm>>, %arg7: memref<2x2x5120x128xf32, #tpu.memory_space<hbm>>, %arg8: memref<88xi32, #tpu.memory_space<vmem>>, %arg9: memref<88xi32, #tpu.memory_space<vmem>>, %arg10: memref<88xi32, #tpu.memory_space<vmem>>, %arg11: memref<88xi32, #tpu.memory_space<vmem>>, %arg12: memref<88xi32, #tpu.memory_space<vmem>>, %arg13: memref<88xi32, #tpu.memory_space<vmem>>, %arg14: memref<88xi32, #tpu.memory_space<vmem>>, %arg15: memref<88xi32, #tpu.memory_space<vmem>>, %arg16: memref<88xi32, #tpu.memory_space<vmem>>, %arg17: memref<88x128xf32, #tpu.memory_space<vmem>>, %arg18: memref<88x128xf32, #tpu.memory_space<vmem>>, %arg19: memref<88x128xf32, #tpu.memory_space<vmem>>, %arg20: memref<88x128xf32, #tpu.memory_space<vmem>>, %arg21: memref<5120x128xf32, #tpu.memory_space<vmem_shared>>, %arg22: memref<5120x128xf32, #tpu.memory_space<vmem_shared>>, %arg23: memref<!tpu.dma_semaphore, #tpu.memory_space<semaphore_mem>>, %arg24: memref<!tpu.dma_semaphore, #tpu.memory_space<semaphore_mem>>, %arg25: memref<!tpu.dma_semaphore, #tpu.memory_space<semaphore_mem>>, %arg26: memref<!tpu.dma_semaphore, #tpu.memory_space<semaphore_mem>>, %arg27: memref<!tpu.dma_semaphore, #tpu.memory_space<semaphore_mem>>, %arg28: memref<!tpu.dma_semaphore, #tpu.memory_space<semaphore_mem>>, %arg29: memref<!tpu.dma_semaphore, #tpu.memory_space<semaphore_mem>>, %arg30: memref<!tpu.dma_semaphore, #tpu.memory_space<semaphore_mem>>, %arg31: memref<!tpu.dma_semaphore, #tpu.memory_space<semaphore_mem>>, %arg32: memref<!tpu.dma_semaphore, #tpu.memory_space<semaphore_mem>>, %arg33: memref<!tpu.dma_semaphore, #tpu.memory_space<semaphore_mem>>, %arg34: memref<!tpu.dma_semaphore, #tpu.memory_space<semaphore_mem>>, %arg35: memref<!tpu.dma_semaphore, #tpu.memory_space<semaphore_mem>>, %arg36: memref<!tpu.dma_semaphore, #tpu.memory_space<semaphore_mem>>, %arg37: memref<!tpu.dma_semaphore, #tpu.memory_space<semaphore_mem>>, %arg38: memref<!tpu.dma_semaphore, #tpu.memory_space<semaphore_mem>>, %arg39: memref<!tpu.dma_semaphore, #tpu.memory_space<semaphore_mem>>, %arg40: memref<!tpu.dma_semaphore, #tpu.memory_space<semaphore_mem>>, %arg41: memref<!tpu.dma_semaphore, #tpu.memory_space<semaphore_mem>>, %arg42: memref<!tpu.dma_semaphore, #tpu.memory_space<semaphore_mem>>, %arg43: memref<!tpu.dma_semaphore, #tpu.memory_space<semaphore_mem>>) attributes {dimension_semantics = [#tpu.dimension_semantics<core_parallel>, #tpu.dimension_semantics<subcore_parallel>], iteration_bounds = array<i64: 2, 16>, scalar_prefetch = 0 : i64, scratch_operands = 36 : i64, tpu.core_type = #tpu.core_type<sc_vector_subcore>, window_params = [{transform_indices = #map}, {transform_indices = #map1}, {transform_indices = #map1}, {transform_indices = #map}, {transform_indices = #map}, {transform_indices = #map2}]} {
    %mul3A = arith.constant 2 : i32
    %mul3A_0 = arith.muli %arg1, %mul3A : i32
    %add3A = arith.addi %mul3A_0, %arg0 : i32
    %mul3A_1 = arith.constant 320 : i32
    %mul3A_2 = arith.muli %arg1, %mul3A_1 : i32
    %multiple_of3A = tpu.assume_multiple %mul3A_2, 8 : i32
    "tpu.region"() ({
      %run_scoped3A_38 = tpu.sem_alloc : memref<!tpu.dma_semaphore, #tpu.memory_space<semaphore_mem>>
      tpu.enqueue_dma source(%arg6 : memref<88x128xf32, #tpu.memory_space<hbm>>) target(%arg20 : memref<88x128xf32, #tpu.memory_space<vmem>>) target_semaphore(%run_scoped3A_38 : memref<!tpu.dma_semaphore, #tpu.memory_space<semaphore_mem>>)
      tpu.wait_dma2 semaphore(%run_scoped3A_38 : memref<!tpu.dma_semaphore, #tpu.memory_space<semaphore_mem>>) src(%arg6 : memref<88x128xf32, #tpu.memory_space<hbm>>) dst(%arg20 : memref<88x128xf32, #tpu.memory_space<vmem>>)
      tpu.yield
    }) : () -> ()
    "tpu.region"() ({
      %run_scoped3A_38 = tpu.sem_alloc : memref<!tpu.dma_semaphore, #tpu.memory_space<semaphore_mem>>
      %dma_start3A = arith.constant 0 : i32
      %dma_start3A_39 = tpu.memref_slice %arg21[%multiple_of3A, %dma_start3A] : memref<5120x128xf32, #tpu.memory_space<vmem_shared>> -> memref<320x128xf32, #tpu.memory_space<vmem_shared>>
      %dma_start3A_40 = arith.constant 0 : i32
      %dma_start3A_41 = tpu.memref_slice %arg5[%multiple_of3A, %dma_start3A_40] : memref<5120x128xf32, #tpu.memory_space<hbm>> -> memref<320x128xf32, #tpu.memory_space<hbm>>
      tpu.enqueue_dma source(%dma_start3A_41 : memref<320x128xf32, #tpu.memory_space<hbm>>) target(%dma_start3A_39 : memref<320x128xf32, #tpu.memory_space<vmem_shared>>) target_semaphore(%run_scoped3A_38 : memref<!tpu.dma_semaphore, #tpu.memory_space<semaphore_mem>>)
      %dma_wait3A_42 = arith.constant 0 : i32
      %dma_wait3A_43 = tpu.memref_slice %arg21[%multiple_of3A, %dma_wait3A_42] : memref<5120x128xf32, #tpu.memory_space<vmem_shared>> -> memref<320x128xf32, #tpu.memory_space<vmem_shared>>
      %dma_wait3A_44 = arith.constant 0 : i32
      %dma_wait3A_45 = tpu.memref_slice %arg5[%multiple_of3A, %dma_wait3A_44] : memref<5120x128xf32, #tpu.memory_space<hbm>> -> memref<320x128xf32, #tpu.memory_space<hbm>>
      tpu.wait_dma2 semaphore(%run_scoped3A_38 : memref<!tpu.dma_semaphore, #tpu.memory_space<semaphore_mem>>) src(%dma_wait3A_45 : memref<320x128xf32, #tpu.memory_space<hbm>>) dst(%dma_wait3A_43 : memref<320x128xf32, #tpu.memory_space<vmem_shared>>)
      tpu.yield
    }) : () -> ()
    "tpu.region"() ({
      %run_scoped3A_38 = tpu.sem_alloc : memref<!tpu.dma_semaphore, #tpu.memory_space<semaphore_mem>>
      %dma_start3A = arith.constant 0 : i32
      %dma_start3A_39 = tpu.memref_slice %arg22[%multiple_of3A, %dma_start3A] : memref<5120x128xf32, #tpu.memory_space<vmem_shared>> -> memref<320x128xf32, #tpu.memory_space<vmem_shared>>
      %dma_start3A_40 = arith.constant 0 : i32
      %dma_start3A_41 = tpu.memref_slice %arg5[%multiple_of3A, %dma_start3A_40] : memref<5120x128xf32, #tpu.memory_space<hbm>> -> memref<320x128xf32, #tpu.memory_space<hbm>>
      tpu.enqueue_dma source(%dma_start3A_41 : memref<320x128xf32, #tpu.memory_space<hbm>>) target(%dma_start3A_39 : memref<320x128xf32, #tpu.memory_space<vmem_shared>>) target_semaphore(%run_scoped3A_38 : memref<!tpu.dma_semaphore, #tpu.memory_space<semaphore_mem>>)
      %dma_wait3A_42 = arith.constant 0 : i32
      %dma_wait3A_43 = tpu.memref_slice %arg22[%multiple_of3A, %dma_wait3A_42] : memref<5120x128xf32, #tpu.memory_space<vmem_shared>> -> memref<320x128xf32, #tpu.memory_space<vmem_shared>>
      %dma_wait3A_44 = arith.constant 0 : i32
      %dma_wait3A_45 = tpu.memref_slice %arg5[%multiple_of3A, %dma_wait3A_44] : memref<5120x128xf32, #tpu.memory_space<hbm>> -> memref<320x128xf32, #tpu.memory_space<hbm>>
      tpu.wait_dma2 semaphore(%run_scoped3A_38 : memref<!tpu.dma_semaphore, #tpu.memory_space<semaphore_mem>>) src(%dma_wait3A_45 : memref<320x128xf32, #tpu.memory_space<hbm>>) dst(%dma_wait3A_43 : memref<320x128xf32, #tpu.memory_space<vmem_shared>>)
      tpu.yield
    }) : () -> ()
    %barrier3A = arith.constant 0 : index
    tpu.barrier barrier_id(%barrier3A)
    %mul3A_3 = arith.constant 10032 : i32
    %mul3A_4 = arith.muli %add3A, %mul3A_3 : i32
    %scan3A = arith.constant 0 : i32
    %scan3A_5 = arith.constant 0 : i32
    %scan3A_6 = arith.constant 19 : i32
    %scan3A_7 = arith.addi %scan3A_5, %scan3A_6 : i32
    %scan3A_8 = arith.constant 1 : i32
    scf.for %scan3A_38 = %scan3A_5 to %scan3A_7 step %scan3A_8  : i32 {
      %ge3A = arith.constant 1 : i32
      %ge3A_39 = arith.cmpi sge, %scan3A_38, %ge3A : i32
      %convert_element_type3A = arith.extui %ge3A_39 : i1 to i32
      %cond3A = arith.constant 0 : i32
      %cond3A_40 = arith.cmpi ne, %convert_element_type3A, %cond3A : i32
      scf.if %cond3A_40 {
        %dma_wait3A_217 = arith.constant 0 : i32
        %dma_wait3A_218 = arith.constant 0 : i32
        %dma_wait3A_219 = tpu.memref_slice %arg22[%dma_wait3A_217, %dma_wait3A_218] : memref<5120x128xf32, #tpu.memory_space<vmem_shared>> -> memref<5120x128xf32, #tpu.memory_space<vmem_shared>>
        tpu.wait_indirect_dma semaphore(%arg38 : memref<!tpu.dma_semaphore, #tpu.memory_space<semaphore_mem>>) src(%arg20 : memref<88x128xf32, #tpu.memory_space<vmem>>) dst(%dma_wait3A_219 : memref<5120x128xf32, #tpu.memory_space<vmem_shared>>)
        %dma_wait3A_220 = arith.constant 0 : i32
        %dma_wait3A_221 = arith.constant 0 : i32
        %dma_wait3A_222 = tpu.memref_slice %arg22[%dma_wait3A_220, %dma_wait3A_221] : memref<5120x128xf32, #tpu.memory_space<vmem_shared>> -> memref<5120x128xf32, #tpu.memory_space<vmem_shared>>
        tpu.wait_indirect_dma semaphore(%arg39 : memref<!tpu.dma_semaphore, #tpu.memory_space<semaphore_mem>>) src(%arg20 : memref<88x128xf32, #tpu.memory_space<vmem>>) dst(%dma_wait3A_222 : memref<5120x128xf32, #tpu.memory_space<vmem_shared>>)
        %dma_wait3A_223 = arith.constant 0 : i32
        %dma_wait3A_224 = arith.constant 0 : i32
        %dma_wait3A_225 = tpu.memref_slice %arg22[%dma_wait3A_223, %dma_wait3A_224] : memref<5120x128xf32, #tpu.memory_space<vmem_shared>> -> memref<5120x128xf32, #tpu.memory_space<vmem_shared>>
        tpu.wait_indirect_dma semaphore(%arg40 : memref<!tpu.dma_semaphore, #tpu.memory_space<semaphore_mem>>) src(%arg20 : memref<88x128xf32, #tpu.memory_space<vmem>>) dst(%dma_wait3A_225 : memref<5120x128xf32, #tpu.memory_space<vmem_shared>>)
        %dma_wait3A_226 = arith.constant 0 : i32
        %dma_wait3A_227 = arith.constant 0 : i32
        %dma_wait3A_228 = tpu.memref_slice %arg22[%dma_wait3A_226, %dma_wait3A_227] : memref<5120x128xf32, #tpu.memory_space<vmem_shared>> -> memref<5120x128xf32, #tpu.memory_space<vmem_shared>>
        tpu.wait_indirect_dma semaphore(%arg41 : memref<!tpu.dma_semaphore, #tpu.memory_space<semaphore_mem>>) src(%arg20 : memref<88x128xf32, #tpu.memory_space<vmem>>) dst(%dma_wait3A_228 : memref<5120x128xf32, #tpu.memory_space<vmem_shared>>)
        %dma_wait3A_229 = arith.constant 0 : i32
        %dma_wait3A_230 = arith.constant 0 : i32
        %dma_wait3A_231 = tpu.memref_slice %arg22[%dma_wait3A_229, %dma_wait3A_230] : memref<5120x128xf32, #tpu.memory_space<vmem_shared>> -> memref<5120x128xf32, #tpu.memory_space<vmem_shared>>
        tpu.wait_indirect_dma semaphore(%arg42 : memref<!tpu.dma_semaphore, #tpu.memory_space<semaphore_mem>>) src(%arg20 : memref<88x128xf32, #tpu.memory_space<vmem>>) dst(%dma_wait3A_231 : memref<5120x128xf32, #tpu.memory_space<vmem_shared>>)
        %dma_wait3A_232 = arith.constant 0 : i32
        %dma_wait3A_233 = arith.constant 0 : i32
        %dma_wait3A_234 = tpu.memref_slice %arg22[%dma_wait3A_232, %dma_wait3A_233] : memref<5120x128xf32, #tpu.memory_space<vmem_shared>> -> memref<5120x128xf32, #tpu.memory_space<vmem_shared>>
        tpu.wait_indirect_dma semaphore(%arg43 : memref<!tpu.dma_semaphore, #tpu.memory_space<semaphore_mem>>) src(%arg20 : memref<88x128xf32, #tpu.memory_space<vmem>>) dst(%dma_wait3A_234 : memref<5120x128xf32, #tpu.memory_space<vmem_shared>>)
        %dma_wait3A_235 = arith.constant 0 : i32
        %dma_wait3A_236 = arith.constant 0 : i32
        %dma_wait3A_237 = tpu.memref_slice %arg21[%dma_wait3A_235, %dma_wait3A_236] : memref<5120x128xf32, #tpu.memory_space<vmem_shared>> -> memref<5120x128xf32, #tpu.memory_space<vmem_shared>>
        tpu.wait_indirect_dma semaphore(%arg35 : memref<!tpu.dma_semaphore, #tpu.memory_space<semaphore_mem>>) src(%arg17 : memref<88x128xf32, #tpu.memory_space<vmem>>) dst(%dma_wait3A_237 : memref<5120x128xf32, #tpu.memory_space<vmem_shared>>)
        %dma_wait3A_238 = arith.constant 0 : i32
        %dma_wait3A_239 = arith.constant 0 : i32
        %dma_wait3A_240 = tpu.memref_slice %arg21[%dma_wait3A_238, %dma_wait3A_239] : memref<5120x128xf32, #tpu.memory_space<vmem_shared>> -> memref<5120x128xf32, #tpu.memory_space<vmem_shared>>
        tpu.wait_indirect_dma semaphore(%arg36 : memref<!tpu.dma_semaphore, #tpu.memory_space<semaphore_mem>>) src(%arg18 : memref<88x128xf32, #tpu.memory_space<vmem>>) dst(%dma_wait3A_240 : memref<5120x128xf32, #tpu.memory_space<vmem_shared>>)
        %dma_wait3A_241 = arith.constant 0 : i32
        %dma_wait3A_242 = arith.constant 0 : i32
        %dma_wait3A_243 = tpu.memref_slice %arg21[%dma_wait3A_241, %dma_wait3A_242] : memref<5120x128xf32, #tpu.memory_space<vmem_shared>> -> memref<5120x128xf32, #tpu.memory_space<vmem_shared>>
        tpu.wait_indirect_dma semaphore(%arg37 : memref<!tpu.dma_semaphore, #tpu.memory_space<semaphore_mem>>) src(%arg19 : memref<88x128xf32, #tpu.memory_space<vmem>>) dst(%dma_wait3A_243 : memref<5120x128xf32, #tpu.memory_space<vmem_shared>>)
      } else {
      }
      %mul3A_41 = arith.constant 6 : i32
      %mul3A_42 = arith.muli %scan3A_38, %mul3A_41 : i32
      %add3A_43 = arith.constant 0 : i32
      %add3A_44 = arith.addi %mul3A_42, %add3A_43 : i32
      %mul3A_45 = arith.constant 88 : i32
      %mul3A_46 = arith.muli %add3A_44, %mul3A_45 : i32
      %add3A_47 = arith.addi %mul3A_4, %mul3A_46 : i32
      %multiple_of3A_48 = tpu.assume_multiple %add3A_47, 8 : i32
      %dma_start3A = tpu.memref_slice %arg3[%multiple_of3A_48] : memref<321024xi32, #tpu.memory_space<hbm>> -> memref<88xi32, #tpu.memory_space<hbm>>
      %dma_start3A_49 = tpu.memref_slice %arg3[%multiple_of3A_48] : memref<321024xi32, #tpu.memory_space<hbm>> -> memref<88xi32, #tpu.memory_space<hbm>>
      tpu.enqueue_dma source(%dma_start3A_49 : memref<88xi32, #tpu.memory_space<hbm>>) target(%arg8 : memref<88xi32, #tpu.memory_space<vmem>>) target_semaphore(%arg23 : memref<!tpu.dma_semaphore, #tpu.memory_space<semaphore_mem>>)
      %dma_start3A_50 = tpu.memref_slice %arg4[%multiple_of3A_48] : memref<321024xi32, #tpu.memory_space<hbm>> -> memref<88xi32, #tpu.memory_space<hbm>>
      %dma_start3A_51 = tpu.memref_slice %arg4[%multiple_of3A_48] : memref<321024xi32, #tpu.memory_space<hbm>> -> memref<88xi32, #tpu.memory_space<hbm>>
      tpu.enqueue_dma source(%dma_start3A_51 : memref<88xi32, #tpu.memory_space<hbm>>) target(%arg11 : memref<88xi32, #tpu.memory_space<vmem>>) target_semaphore(%arg26 : memref<!tpu.dma_semaphore, #tpu.memory_space<semaphore_mem>>)
      %mul3A_52 = arith.constant 6 : i32
      %mul3A_53 = arith.muli %scan3A_38, %mul3A_52 : i32
      %add3A_54 = arith.constant 1 : i32
      %add3A_55 = arith.addi %mul3A_53, %add3A_54 : i32
      %mul3A_56 = arith.constant 88 : i32
      %mul3A_57 = arith.muli %add3A_55, %mul3A_56 : i32
      %add3A_58 = arith.addi %mul3A_4, %mul3A_57 : i32
      %multiple_of3A_59 = tpu.assume_multiple %add3A_58, 8 : i32
      %dma_start3A_60 = tpu.memref_slice %arg3[%multiple_of3A_59] : memref<321024xi32, #tpu.memory_space<hbm>> -> memref<88xi32, #tpu.memory_space<hbm>>
      %dma_start3A_61 = tpu.memref_slice %arg3[%multiple_of3A_59] : memref<321024xi32, #tpu.memory_space<hbm>> -> memref<88xi32, #tpu.memory_space<hbm>>
      tpu.enqueue_dma source(%dma_start3A_61 : memref<88xi32, #tpu.memory_space<hbm>>) target(%arg9 : memref<88xi32, #tpu.memory_space<vmem>>) target_semaphore(%arg24 : memref<!tpu.dma_semaphore, #tpu.memory_space<semaphore_mem>>)
      %dma_start3A_62 = tpu.memref_slice %arg4[%multiple_of3A_59] : memref<321024xi32, #tpu.memory_space<hbm>> -> memref<88xi32, #tpu.memory_space<hbm>>
      %dma_start3A_63 = tpu.memref_slice %arg4[%multiple_of3A_59] : memref<321024xi32, #tpu.memory_space<hbm>> -> memref<88xi32, #tpu.memory_space<hbm>>
      tpu.enqueue_dma source(%dma_start3A_63 : memref<88xi32, #tpu.memory_space<hbm>>) target(%arg12 : memref<88xi32, #tpu.memory_space<vmem>>) target_semaphore(%arg27 : memref<!tpu.dma_semaphore, #tpu.memory_space<semaphore_mem>>)
      %mul3A_64 = arith.constant 6 : i32
      %mul3A_65 = arith.muli %scan3A_38, %mul3A_64 : i32
      %add3A_66 = arith.constant 2 : i32
      %add3A_67 = arith.addi %mul3A_65, %add3A_66 : i32
      %mul3A_68 = arith.constant 88 : i32
      %mul3A_69 = arith.muli %add3A_67, %mul3A_68 : i32
      %add3A_70 = arith.addi %mul3A_4, %mul3A_69 : i32
      %multiple_of3A_71 = tpu.assume_multiple %add3A_70, 8 : i32
      %dma_start3A_72 = tpu.memref_slice %arg3[%multiple_of3A_71] : memref<321024xi32, #tpu.memory_space<hbm>> -> memref<88xi32, #tpu.memory_space<hbm>>
      %dma_start3A_73 = tpu.memref_slice %arg3[%multiple_of3A_71] : memref<321024xi32, #tpu.memory_space<hbm>> -> memref<88xi32, #tpu.memory_space<hbm>>
      tpu.enqueue_dma source(%dma_start3A_73 : memref<88xi32, #tpu.memory_space<hbm>>) target(%arg10 : memref<88xi32, #tpu.memory_space<vmem>>) target_semaphore(%arg25 : memref<!tpu.dma_semaphore, #tpu.memory_space<semaphore_mem>>)
      %dma_start3A_74 = tpu.memref_slice %arg4[%multiple_of3A_71] : memref<321024xi32, #tpu.memory_space<hbm>> -> memref<88xi32, #tpu.memory_space<hbm>>
      %dma_start3A_75 = tpu.memref_slice %arg4[%multiple_of3A_71] : memref<321024xi32, #tpu.memory_space<hbm>> -> memref<88xi32, #tpu.memory_space<hbm>>
      tpu.enqueue_dma source(%dma_start3A_75 : memref<88xi32, #tpu.memory_space<hbm>>) target(%arg13 : memref<88xi32, #tpu.memory_space<vmem>>) target_semaphore(%arg28 : memref<!tpu.dma_semaphore, #tpu.memory_space<semaphore_mem>>)
      %dma_wait3A_76 = tpu.memref_slice %arg3[%multiple_of3A_48] : memref<321024xi32, #tpu.memory_space<hbm>> -> memref<88xi32, #tpu.memory_space<hbm>>
      %dma_wait3A_77 = tpu.memref_slice %arg3[%multiple_of3A_48] : memref<321024xi32, #tpu.memory_space<hbm>> -> memref<88xi32, #tpu.memory_space<hbm>>
      tpu.wait_dma2 semaphore(%arg23 : memref<!tpu.dma_semaphore, #tpu.memory_space<semaphore_mem>>) src(%dma_wait3A_77 : memref<88xi32, #tpu.memory_space<hbm>>) dst(%arg8 : memref<88xi32, #tpu.memory_space<vmem>>)
      %dma_start3A_78 = arith.constant 0 : i32
      %dma_start3A_79 = arith.constant 0 : i32
      %dma_start3A_80 = tpu.memref_slice %arg2[%dma_start3A_78, %dma_start3A_79] : memref<5008x128xf32, #tpu.memory_space<hbm>> -> memref<5008x128xf32, #tpu.memory_space<hbm>>
      tpu.enqueue_indirect_dma source(%dma_start3A_80 : memref<5008x128xf32, #tpu.memory_space<hbm>>) target(%arg17 : memref<88x128xf32, #tpu.memory_space<vmem>>) offsets(%arg8 : memref<88xi32, #tpu.memory_space<vmem>>) semaphore(%arg32 : memref<!tpu.dma_semaphore, #tpu.memory_space<semaphore_mem>>)
      %dma_wait3A_81 = tpu.memref_slice %arg3[%multiple_of3A_59] : memref<321024xi32, #tpu.memory_space<hbm>> -> memref<88xi32, #tpu.memory_space<hbm>>
      %dma_wait3A_82 = tpu.memref_slice %arg3[%multiple_of3A_59] : memref<321024xi32, #tpu.memory_space<hbm>> -> memref<88xi32, #tpu.memory_space<hbm>>
      tpu.wait_dma2 semaphore(%arg24 : memref<!tpu.dma_semaphore, #tpu.memory_space<semaphore_mem>>) src(%dma_wait3A_82 : memref<88xi32, #tpu.memory_space<hbm>>) dst(%arg9 : memref<88xi32, #tpu.memory_space<vmem>>)
      %dma_start3A_83 = arith.constant 0 : i32
      %dma_start3A_84 = arith.constant 0 : i32
      %dma_start3A_85 = tpu.memref_slice %arg2[%dma_start3A_83, %dma_start3A_84] : memref<5008x128xf32, #tpu.memory_space<hbm>> -> memref<5008x128xf32, #tpu.memory_space<hbm>>
      tpu.enqueue_indirect_dma source(%dma_start3A_85 : memref<5008x128xf32, #tpu.memory_space<hbm>>) target(%arg18 : memref<88x128xf32, #tpu.memory_space<vmem>>) offsets(%arg9 : memref<88xi32, #tpu.memory_space<vmem>>) semaphore(%arg33 : memref<!tpu.dma_semaphore, #tpu.memory_space<semaphore_mem>>)
      %dma_wait3A_86 = tpu.memref_slice %arg3[%multiple_of3A_71] : memref<321024xi32, #tpu.memory_space<hbm>> -> memref<88xi32, #tpu.memory_space<hbm>>
      %dma_wait3A_87 = tpu.memref_slice %arg3[%multiple_of3A_71] : memref<321024xi32, #tpu.memory_space<hbm>> -> memref<88xi32, #tpu.memory_space<hbm>>
      tpu.wait_dma2 semaphore(%arg25 : memref<!tpu.dma_semaphore, #tpu.memory_space<semaphore_mem>>) src(%dma_wait3A_87 : memref<88xi32, #tpu.memory_space<hbm>>) dst(%arg10 : memref<88xi32, #tpu.memory_space<vmem>>)
      %dma_start3A_88 = arith.constant 0 : i32
      %dma_start3A_89 = arith.constant 0 : i32
      %dma_start3A_90 = tpu.memref_slice %arg2[%dma_start3A_88, %dma_start3A_89] : memref<5008x128xf32, #tpu.memory_space<hbm>> -> memref<5008x128xf32, #tpu.memory_space<hbm>>
      tpu.enqueue_indirect_dma source(%dma_start3A_90 : memref<5008x128xf32, #tpu.memory_space<hbm>>) target(%arg19 : memref<88x128xf32, #tpu.memory_space<vmem>>) offsets(%arg10 : memref<88xi32, #tpu.memory_space<vmem>>) semaphore(%arg34 : memref<!tpu.dma_semaphore, #tpu.memory_space<semaphore_mem>>)
      %dma_wait3A_91 = arith.constant 0 : i32
      %dma_wait3A_92 = arith.constant 0 : i32
      %dma_wait3A_93 = tpu.memref_slice %arg2[%dma_wait3A_91, %dma_wait3A_92] : memref<5008x128xf32, #tpu.memory_space<hbm>> -> memref<5008x128xf32, #tpu.memory_space<hbm>>
      tpu.wait_indirect_dma semaphore(%arg32 : memref<!tpu.dma_semaphore, #tpu.memory_space<semaphore_mem>>) src(%dma_wait3A_93 : memref<5008x128xf32, #tpu.memory_space<hbm>>) dst(%arg17 : memref<88x128xf32, #tpu.memory_space<vmem>>)
      %dma_wait3A_94 = tpu.memref_slice %arg4[%multiple_of3A_48] : memref<321024xi32, #tpu.memory_space<hbm>> -> memref<88xi32, #tpu.memory_space<hbm>>
      %dma_wait3A_95 = tpu.memref_slice %arg4[%multiple_of3A_48] : memref<321024xi32, #tpu.memory_space<hbm>> -> memref<88xi32, #tpu.memory_space<hbm>>
      tpu.wait_dma2 semaphore(%arg26 : memref<!tpu.dma_semaphore, #tpu.memory_space<semaphore_mem>>) src(%dma_wait3A_95 : memref<88xi32, #tpu.memory_space<hbm>>) dst(%arg11 : memref<88xi32, #tpu.memory_space<vmem>>)
      %dma_start3A_96 = arith.constant 0 : i32
      %dma_start3A_97 = arith.constant 0 : i32
      %dma_start3A_98 = tpu.memref_slice %arg21[%dma_start3A_96, %dma_start3A_97] : memref<5120x128xf32, #tpu.memory_space<vmem_shared>> -> memref<5120x128xf32, #tpu.memory_space<vmem_shared>>
      tpu.enqueue_indirect_dma source(%arg17 : memref<88x128xf32, #tpu.memory_space<vmem>>) target(%dma_start3A_98 : memref<5120x128xf32, #tpu.memory_space<vmem_shared>>) offsets(%arg11 : memref<88xi32, #tpu.memory_space<vmem>>) semaphore(%arg35 : memref<!tpu.dma_semaphore, #tpu.memory_space<semaphore_mem>>) {add = true}
      %dma_start3A_99 = arith.constant 0 : i32
      %dma_start3A_100 = arith.constant 0 : i32
      %dma_start3A_101 = tpu.memref_slice %arg22[%dma_start3A_99, %dma_start3A_100] : memref<5120x128xf32, #tpu.memory_space<vmem_shared>> -> memref<5120x128xf32, #tpu.memory_space<vmem_shared>>
      tpu.enqueue_indirect_dma source(%arg20 : memref<88x128xf32, #tpu.memory_space<vmem>>) target(%dma_start3A_101 : memref<5120x128xf32, #tpu.memory_space<vmem_shared>>) offsets(%arg11 : memref<88xi32, #tpu.memory_space<vmem>>) semaphore(%arg38 : memref<!tpu.dma_semaphore, #tpu.memory_space<semaphore_mem>>) {add = true}
      %dma_wait3A_102 = arith.constant 0 : i32
      %dma_wait3A_103 = arith.constant 0 : i32
      %dma_wait3A_104 = tpu.memref_slice %arg2[%dma_wait3A_102, %dma_wait3A_103] : memref<5008x128xf32, #tpu.memory_space<hbm>> -> memref<5008x128xf32, #tpu.memory_space<hbm>>
      tpu.wait_indirect_dma semaphore(%arg33 : memref<!tpu.dma_semaphore, #tpu.memory_space<semaphore_mem>>) src(%dma_wait3A_104 : memref<5008x128xf32, #tpu.memory_space<hbm>>) dst(%arg18 : memref<88x128xf32, #tpu.memory_space<vmem>>)
      %dma_wait3A_105 = tpu.memref_slice %arg4[%multiple_of3A_59] : memref<321024xi32, #tpu.memory_space<hbm>> -> memref<88xi32, #tpu.memory_space<hbm>>
      %dma_wait3A_106 = tpu.memref_slice %arg4[%multiple_of3A_59] : memref<321024xi32, #tpu.memory_space<hbm>> -> memref<88xi32, #tpu.memory_space<hbm>>
      tpu.wait_dma2 semaphore(%arg27 : memref<!tpu.dma_semaphore, #tpu.memory_space<semaphore_mem>>) src(%dma_wait3A_106 : memref<88xi32, #tpu.memory_space<hbm>>) dst(%arg12 : memref<88xi32, #tpu.memory_space<vmem>>)
      %dma_start3A_107 = arith.constant 0 : i32
      %dma_start3A_108 = arith.constant 0 : i32
      %dma_start3A_109 = tpu.memref_slice %arg21[%dma_start3A_107, %dma_start3A_108] : memref<5120x128xf32, #tpu.memory_space<vmem_shared>> -> memref<5120x128xf32, #tpu.memory_space<vmem_shared>>
      tpu.enqueue_indirect_dma source(%arg18 : memref<88x128xf32, #tpu.memory_space<vmem>>) target(%dma_start3A_109 : memref<5120x128xf32, #tpu.memory_space<vmem_shared>>) offsets(%arg12 : memref<88xi32, #tpu.memory_space<vmem>>) semaphore(%arg36 : memref<!tpu.dma_semaphore, #tpu.memory_space<semaphore_mem>>) {add = true}
      %dma_start3A_110 = arith.constant 0 : i32
      %dma_start3A_111 = arith.constant 0 : i32
      %dma_start3A_112 = tpu.memref_slice %arg22[%dma_start3A_110, %dma_start3A_111] : memref<5120x128xf32, #tpu.memory_space<vmem_shared>> -> memref<5120x128xf32, #tpu.memory_space<vmem_shared>>
      tpu.enqueue_indirect_dma source(%arg20 : memref<88x128xf32, #tpu.memory_space<vmem>>) target(%dma_start3A_112 : memref<5120x128xf32, #tpu.memory_space<vmem_shared>>) offsets(%arg12 : memref<88xi32, #tpu.memory_space<vmem>>) semaphore(%arg39 : memref<!tpu.dma_semaphore, #tpu.memory_space<semaphore_mem>>) {add = true}
      %dma_wait3A_113 = arith.constant 0 : i32
      %dma_wait3A_114 = arith.constant 0 : i32
      %dma_wait3A_115 = tpu.memref_slice %arg2[%dma_wait3A_113, %dma_wait3A_114] : memref<5008x128xf32, #tpu.memory_space<hbm>> -> memref<5008x128xf32, #tpu.memory_space<hbm>>
      tpu.wait_indirect_dma semaphore(%arg34 : memref<!tpu.dma_semaphore, #tpu.memory_space<semaphore_mem>>) src(%dma_wait3A_115 : memref<5008x128xf32, #tpu.memory_space<hbm>>) dst(%arg19 : memref<88x128xf32, #tpu.memory_space<vmem>>)
      %dma_wait3A_116 = tpu.memref_slice %arg4[%multiple_of3A_71] : memref<321024xi32, #tpu.memory_space<hbm>> -> memref<88xi32, #tpu.memory_space<hbm>>
      %dma_wait3A_117 = tpu.memref_slice %arg4[%multiple_of3A_71] : memref<321024xi32, #tpu.memory_space<hbm>> -> memref<88xi32, #tpu.memory_space<hbm>>
      tpu.wait_dma2 semaphore(%arg28 : memref<!tpu.dma_semaphore, #tpu.memory_space<semaphore_mem>>) src(%dma_wait3A_117 : memref<88xi32, #tpu.memory_space<hbm>>) dst(%arg13 : memref<88xi32, #tpu.memory_space<vmem>>)
      %dma_start3A_118 = arith.constant 0 : i32
      %dma_start3A_119 = arith.constant 0 : i32
      %dma_start3A_120 = tpu.memref_slice %arg21[%dma_start3A_118, %dma_start3A_119] : memref<5120x128xf32, #tpu.memory_space<vmem_shared>> -> memref<5120x128xf32, #tpu.memory_space<vmem_shared>>
      tpu.enqueue_indirect_dma source(%arg19 : memref<88x128xf32, #tpu.memory_space<vmem>>) target(%dma_start3A_120 : memref<5120x128xf32, #tpu.memory_space<vmem_shared>>) offsets(%arg13 : memref<88xi32, #tpu.memory_space<vmem>>) semaphore(%arg37 : memref<!tpu.dma_semaphore, #tpu.memory_space<semaphore_mem>>) {add = true}
      %dma_start3A_121 = arith.constant 0 : i32
      %dma_start3A_122 = arith.constant 0 : i32
      %dma_start3A_123 = tpu.memref_slice %arg22[%dma_start3A_121, %dma_start3A_122] : memref<5120x128xf32, #tpu.memory_space<vmem_shared>> -> memref<5120x128xf32, #tpu.memory_space<vmem_shared>>
      tpu.enqueue_indirect_dma source(%arg20 : memref<88x128xf32, #tpu.memory_space<vmem>>) target(%dma_start3A_123 : memref<5120x128xf32, #tpu.memory_space<vmem_shared>>) offsets(%arg13 : memref<88xi32, #tpu.memory_space<vmem>>) semaphore(%arg40 : memref<!tpu.dma_semaphore, #tpu.memory_space<semaphore_mem>>) {add = true}
      %mul3A_124 = arith.constant 6 : i32
      %mul3A_125 = arith.muli %scan3A_38, %mul3A_124 : i32
      %add3A_126 = arith.constant 3 : i32
      %add3A_127 = arith.addi %mul3A_125, %add3A_126 : i32
      %mul3A_128 = arith.constant 88 : i32
      %mul3A_129 = arith.muli %add3A_127, %mul3A_128 : i32
      %add3A_130 = arith.addi %mul3A_4, %mul3A_129 : i32
      %multiple_of3A_131 = tpu.assume_multiple %add3A_130, 8 : i32
      %dma_start3A_132 = tpu.memref_slice %arg3[%multiple_of3A_131] : memref<321024xi32, #tpu.memory_space<hbm>> -> memref<88xi32, #tpu.memory_space<hbm>>
      %dma_start3A_133 = tpu.memref_slice %arg3[%multiple_of3A_131] : memref<321024xi32, #tpu.memory_space<hbm>> -> memref<88xi32, #tpu.memory_space<hbm>>
      tpu.enqueue_dma source(%dma_start3A_133 : memref<88xi32, #tpu.memory_space<hbm>>) target(%arg8 : memref<88xi32, #tpu.memory_space<vmem>>) target_semaphore(%arg23 : memref<!tpu.dma_semaphore, #tpu.memory_space<semaphore_mem>>)
      %dma_start3A_134 = tpu.memref_slice %arg4[%multiple_of3A_131] : memref<321024xi32, #tpu.memory_space<hbm>> -> memref<88xi32, #tpu.memory_space<hbm>>
      %dma_start3A_135 = tpu.memref_slice %arg4[%multiple_of3A_131] : memref<321024xi32, #tpu.memory_space<hbm>> -> memref<88xi32, #tpu.memory_space<hbm>>
      tpu.enqueue_dma source(%dma_start3A_135 : memref<88xi32, #tpu.memory_space<hbm>>) target(%arg14 : memref<88xi32, #tpu.memory_space<vmem>>) target_semaphore(%arg29 : memref<!tpu.dma_semaphore, #tpu.memory_space<semaphore_mem>>)
      %mul3A_136 = arith.constant 6 : i32
      %mul3A_137 = arith.muli %scan3A_38, %mul3A_136 : i32
      %add3A_138 = arith.constant 4 : i32
      %add3A_139 = arith.addi %mul3A_137, %add3A_138 : i32
      %mul3A_140 = arith.constant 88 : i32
      %mul3A_141 = arith.muli %add3A_139, %mul3A_140 : i32
      %add3A_142 = arith.addi %mul3A_4, %mul3A_141 : i32
      %multiple_of3A_143 = tpu.assume_multiple %add3A_142, 8 : i32
      %dma_start3A_144 = tpu.memref_slice %arg3[%multiple_of3A_143] : memref<321024xi32, #tpu.memory_space<hbm>> -> memref<88xi32, #tpu.memory_space<hbm>>
      %dma_start3A_145 = tpu.memref_slice %arg3[%multiple_of3A_143] : memref<321024xi32, #tpu.memory_space<hbm>> -> memref<88xi32, #tpu.memory_space<hbm>>
      tpu.enqueue_dma source(%dma_start3A_145 : memref<88xi32, #tpu.memory_space<hbm>>) target(%arg9 : memref<88xi32, #tpu.memory_space<vmem>>) target_semaphore(%arg24 : memref<!tpu.dma_semaphore, #tpu.memory_space<semaphore_mem>>)
      %dma_start3A_146 = tpu.memref_slice %arg4[%multiple_of3A_143] : memref<321024xi32, #tpu.memory_space<hbm>> -> memref<88xi32, #tpu.memory_space<hbm>>
      %dma_start3A_147 = tpu.memref_slice %arg4[%multiple_of3A_143] : memref<321024xi32, #tpu.memory_space<hbm>> -> memref<88xi32, #tpu.memory_space<hbm>>
      tpu.enqueue_dma source(%dma_start3A_147 : memref<88xi32, #tpu.memory_space<hbm>>) target(%arg15 : memref<88xi32, #tpu.memory_space<vmem>>) target_semaphore(%arg30 : memref<!tpu.dma_semaphore, #tpu.memory_space<semaphore_mem>>)
      %mul3A_148 = arith.constant 6 : i32
      %mul3A_149 = arith.muli %scan3A_38, %mul3A_148 : i32
      %add3A_150 = arith.constant 5 : i32
      %add3A_151 = arith.addi %mul3A_149, %add3A_150 : i32
      %mul3A_152 = arith.constant 88 : i32
      %mul3A_153 = arith.muli %add3A_151, %mul3A_152 : i32
      %add3A_154 = arith.addi %mul3A_4, %mul3A_153 : i32
      %multiple_of3A_155 = tpu.assume_multiple %add3A_154, 8 : i32
      %dma_start3A_156 = tpu.memref_slice %arg3[%multiple_of3A_155] : memref<321024xi32, #tpu.memory_space<hbm>> -> memref<88xi32, #tpu.memory_space<hbm>>
      %dma_start3A_157 = tpu.memref_slice %arg3[%multiple_of3A_155] : memref<321024xi32, #tpu.memory_space<hbm>> -> memref<88xi32, #tpu.memory_space<hbm>>
      tpu.enqueue_dma source(%dma_start3A_157 : memref<88xi32, #tpu.memory_space<hbm>>) target(%arg10 : memref<88xi32, #tpu.memory_space<vmem>>) target_semaphore(%arg25 : memref<!tpu.dma_semaphore, #tpu.memory_space<semaphore_mem>>)
      %dma_start3A_158 = tpu.memref_slice %arg4[%multiple_of3A_155] : memref<321024xi32, #tpu.memory_space<hbm>> -> memref<88xi32, #tpu.memory_space<hbm>>
      %dma_start3A_159 = tpu.memref_slice %arg4[%multiple_of3A_155] : memref<321024xi32, #tpu.memory_space<hbm>> -> memref<88xi32, #tpu.memory_space<hbm>>
      tpu.enqueue_dma source(%dma_start3A_159 : memref<88xi32, #tpu.memory_space<hbm>>) target(%arg16 : memref<88xi32, #tpu.memory_space<vmem>>) target_semaphore(%arg31 : memref<!tpu.dma_semaphore, #tpu.memory_space<semaphore_mem>>)
      %dma_wait3A_160 = tpu.memref_slice %arg3[%multiple_of3A_131] : memref<321024xi32, #tpu.memory_space<hbm>> -> memref<88xi32, #tpu.memory_space<hbm>>
      %dma_wait3A_161 = tpu.memref_slice %arg3[%multiple_of3A_131] : memref<321024xi32, #tpu.memory_space<hbm>> -> memref<88xi32, #tpu.memory_space<hbm>>
      tpu.wait_dma2 semaphore(%arg23 : memref<!tpu.dma_semaphore, #tpu.memory_space<semaphore_mem>>) src(%dma_wait3A_161 : memref<88xi32, #tpu.memory_space<hbm>>) dst(%arg8 : memref<88xi32, #tpu.memory_space<vmem>>)
      %dma_wait3A_162 = arith.constant 0 : i32
      %dma_wait3A_163 = arith.constant 0 : i32
      %dma_wait3A_164 = tpu.memref_slice %arg21[%dma_wait3A_162, %dma_wait3A_163] : memref<5120x128xf32, #tpu.memory_space<vmem_shared>> -> memref<5120x128xf32, #tpu.memory_space<vmem_shared>>
      tpu.wait_indirect_dma semaphore(%arg35 : memref<!tpu.dma_semaphore, #tpu.memory_space<semaphore_mem>>) src(%arg17 : memref<88x128xf32, #tpu.memory_space<vmem>>) dst(%dma_wait3A_164 : memref<5120x128xf32, #tpu.memory_space<vmem_shared>>)
      %dma_start3A_165 = arith.constant 0 : i32
      %dma_start3A_166 = arith.constant 0 : i32
      %dma_start3A_167 = tpu.memref_slice %arg2[%dma_start3A_165, %dma_start3A_166] : memref<5008x128xf32, #tpu.memory_space<hbm>> -> memref<5008x128xf32, #tpu.memory_space<hbm>>
      tpu.enqueue_indirect_dma source(%dma_start3A_167 : memref<5008x128xf32, #tpu.memory_space<hbm>>) target(%arg17 : memref<88x128xf32, #tpu.memory_space<vmem>>) offsets(%arg8 : memref<88xi32, #tpu.memory_space<vmem>>) semaphore(%arg32 : memref<!tpu.dma_semaphore, #tpu.memory_space<semaphore_mem>>)
      %dma_wait3A_168 = tpu.memref_slice %arg3[%multiple_of3A_143] : memref<321024xi32, #tpu.memory_space<hbm>> -> memref<88xi32, #tpu.memory_space<hbm>>
      %dma_wait3A_169 = tpu.memref_slice %arg3[%multiple_of3A_143] : memref<321024xi32, #tpu.memory_space<hbm>> -> memref<88xi32, #tpu.memory_space<hbm>>
      tpu.wait_dma2 semaphore(%arg24 : memref<!tpu.dma_semaphore, #tpu.memory_space<semaphore_mem>>) src(%dma_wait3A_169 : memref<88xi32, #tpu.memory_space<hbm>>) dst(%arg9 : memref<88xi32, #tpu.memory_space<vmem>>)
      %dma_wait3A_170 = arith.constant 0 : i32
      %dma_wait3A_171 = arith.constant 0 : i32
      %dma_wait3A_172 = tpu.memref_slice %arg21[%dma_wait3A_170, %dma_wait3A_171] : memref<5120x128xf32, #tpu.memory_space<vmem_shared>> -> memref<5120x128xf32, #tpu.memory_space<vmem_shared>>
      tpu.wait_indirect_dma semaphore(%arg36 : memref<!tpu.dma_semaphore, #tpu.memory_space<semaphore_mem>>) src(%arg18 : memref<88x128xf32, #tpu.memory_space<vmem>>) dst(%dma_wait3A_172 : memref<5120x128xf32, #tpu.memory_space<vmem_shared>>)
      %dma_start3A_173 = arith.constant 0 : i32
      %dma_start3A_174 = arith.constant 0 : i32
      %dma_start3A_175 = tpu.memref_slice %arg2[%dma_start3A_173, %dma_start3A_174] : memref<5008x128xf32, #tpu.memory_space<hbm>> -> memref<5008x128xf32, #tpu.memory_space<hbm>>
      tpu.enqueue_indirect_dma source(%dma_start3A_175 : memref<5008x128xf32, #tpu.memory_space<hbm>>) target(%arg18 : memref<88x128xf32, #tpu.memory_space<vmem>>) offsets(%arg9 : memref<88xi32, #tpu.memory_space<vmem>>) semaphore(%arg33 : memref<!tpu.dma_semaphore, #tpu.memory_space<semaphore_mem>>)
      %dma_wait3A_176 = tpu.memref_slice %arg3[%multiple_of3A_155] : memref<321024xi32, #tpu.memory_space<hbm>> -> memref<88xi32, #tpu.memory_space<hbm>>
      %dma_wait3A_177 = tpu.memref_slice %arg3[%multiple_of3A_155] : memref<321024xi32, #tpu.memory_space<hbm>> -> memref<88xi32, #tpu.memory_space<hbm>>
      tpu.wait_dma2 semaphore(%arg25 : memref<!tpu.dma_semaphore, #tpu.memory_space<semaphore_mem>>) src(%dma_wait3A_177 : memref<88xi32, #tpu.memory_space<hbm>>) dst(%arg10 : memref<88xi32, #tpu.memory_space<vmem>>)
      %dma_wait3A_178 = arith.constant 0 : i32
      %dma_wait3A_179 = arith.constant 0 : i32
      %dma_wait3A_180 = tpu.memref_slice %arg21[%dma_wait3A_178, %dma_wait3A_179] : memref<5120x128xf32, #tpu.memory_space<vmem_shared>> -> memref<5120x128xf32, #tpu.memory_space<vmem_shared>>
      tpu.wait_indirect_dma semaphore(%arg37 : memref<!tpu.dma_semaphore, #tpu.memory_space<semaphore_mem>>) src(%arg19 : memref<88x128xf32, #tpu.memory_space<vmem>>) dst(%dma_wait3A_180 : memref<5120x128xf32, #tpu.memory_space<vmem_shared>>)
      %dma_start3A_181 = arith.constant 0 : i32
      %dma_start3A_182 = arith.constant 0 : i32
      %dma_start3A_183 = tpu.memref_slice %arg2[%dma_start3A_181, %dma_start3A_182] : memref<5008x128xf32, #tpu.memory_space<hbm>> -> memref<5008x128xf32, #tpu.memory_space<hbm>>
      tpu.enqueue_indirect_dma source(%dma_start3A_183 : memref<5008x128xf32, #tpu.memory_space<hbm>>) target(%arg19 : memref<88x128xf32, #tpu.memory_space<vmem>>) offsets(%arg10 : memref<88xi32, #tpu.memory_space<vmem>>) semaphore(%arg34 : memref<!tpu.dma_semaphore, #tpu.memory_space<semaphore_mem>>)
      %dma_wait3A_184 = arith.constant 0 : i32
      %dma_wait3A_185 = arith.constant 0 : i32
      %dma_wait3A_186 = tpu.memref_slice %arg2[%dma_wait3A_184, %dma_wait3A_185] : memref<5008x128xf32, #tpu.memory_space<hbm>> -> memref<5008x128xf32, #tpu.memory_space<hbm>>
      tpu.wait_indirect_dma semaphore(%arg32 : memref<!tpu.dma_semaphore, #tpu.memory_space<semaphore_mem>>) src(%dma_wait3A_186 : memref<5008x128xf32, #tpu.memory_space<hbm>>) dst(%arg17 : memref<88x128xf32, #tpu.memory_space<vmem>>)
      %dma_wait3A_187 = tpu.memref_slice %arg4[%multiple_of3A_131] : memref<321024xi32, #tpu.memory_space<hbm>> -> memref<88xi32, #tpu.memory_space<hbm>>
      %dma_wait3A_188 = tpu.memref_slice %arg4[%multiple_of3A_131] : memref<321024xi32, #tpu.memory_space<hbm>> -> memref<88xi32, #tpu.memory_space<hbm>>
      tpu.wait_dma2 semaphore(%arg29 : memref<!tpu.dma_semaphore, #tpu.memory_space<semaphore_mem>>) src(%dma_wait3A_188 : memref<88xi32, #tpu.memory_space<hbm>>) dst(%arg14 : memref<88xi32, #tpu.memory_space<vmem>>)
      %dma_start3A_189 = arith.constant 0 : i32
      %dma_start3A_190 = arith.constant 0 : i32
      %dma_start3A_191 = tpu.memref_slice %arg21[%dma_start3A_189, %dma_start3A_190] : memref<5120x128xf32, #tpu.memory_space<vmem_shared>> -> memref<5120x128xf32, #tpu.memory_space<vmem_shared>>
      tpu.enqueue_indirect_dma source(%arg17 : memref<88x128xf32, #tpu.memory_space<vmem>>) target(%dma_start3A_191 : memref<5120x128xf32, #tpu.memory_space<vmem_shared>>) offsets(%arg14 : memref<88xi32, #tpu.memory_space<vmem>>) semaphore(%arg35 : memref<!tpu.dma_semaphore, #tpu.memory_space<semaphore_mem>>) {add = true}
      %dma_start3A_192 = arith.constant 0 : i32
      %dma_start3A_193 = arith.constant 0 : i32
      %dma_start3A_194 = tpu.memref_slice %arg22[%dma_start3A_192, %dma_start3A_193] : memref<5120x128xf32, #tpu.memory_space<vmem_shared>> -> memref<5120x128xf32, #tpu.memory_space<vmem_shared>>
      tpu.enqueue_indirect_dma source(%arg20 : memref<88x128xf32, #tpu.memory_space<vmem>>) target(%dma_start3A_194 : memref<5120x128xf32, #tpu.memory_space<vmem_shared>>) offsets(%arg14 : memref<88xi32, #tpu.memory_space<vmem>>) semaphore(%arg41 : memref<!tpu.dma_semaphore, #tpu.memory_space<semaphore_mem>>) {add = true}
      %dma_wait3A_195 = arith.constant 0 : i32
      %dma_wait3A_196 = arith.constant 0 : i32
      %dma_wait3A_197 = tpu.memref_slice %arg2[%dma_wait3A_195, %dma_wait3A_196] : memref<5008x128xf32, #tpu.memory_space<hbm>> -> memref<5008x128xf32, #tpu.memory_space<hbm>>
      tpu.wait_indirect_dma semaphore(%arg33 : memref<!tpu.dma_semaphore, #tpu.memory_space<semaphore_mem>>) src(%dma_wait3A_197 : memref<5008x128xf32, #tpu.memory_space<hbm>>) dst(%arg18 : memref<88x128xf32, #tpu.memory_space<vmem>>)
      %dma_wait3A_198 = tpu.memref_slice %arg4[%multiple_of3A_143] : memref<321024xi32, #tpu.memory_space<hbm>> -> memref<88xi32, #tpu.memory_space<hbm>>
      %dma_wait3A_199 = tpu.memref_slice %arg4[%multiple_of3A_143] : memref<321024xi32, #tpu.memory_space<hbm>> -> memref<88xi32, #tpu.memory_space<hbm>>
      tpu.wait_dma2 semaphore(%arg30 : memref<!tpu.dma_semaphore, #tpu.memory_space<semaphore_mem>>) src(%dma_wait3A_199 : memref<88xi32, #tpu.memory_space<hbm>>) dst(%arg15 : memref<88xi32, #tpu.memory_space<vmem>>)
      %dma_start3A_200 = arith.constant 0 : i32
      %dma_start3A_201 = arith.constant 0 : i32
      %dma_start3A_202 = tpu.memref_slice %arg21[%dma_start3A_200, %dma_start3A_201] : memref<5120x128xf32, #tpu.memory_space<vmem_shared>> -> memref<5120x128xf32, #tpu.memory_space<vmem_shared>>
      tpu.enqueue_indirect_dma source(%arg18 : memref<88x128xf32, #tpu.memory_space<vmem>>) target(%dma_start3A_202 : memref<5120x128xf32, #tpu.memory_space<vmem_shared>>) offsets(%arg15 : memref<88xi32, #tpu.memory_space<vmem>>) semaphore(%arg36 : memref<!tpu.dma_semaphore, #tpu.memory_space<semaphore_mem>>) {add = true}
      %dma_start3A_203 = arith.constant 0 : i32
      %dma_start3A_204 = arith.constant 0 : i32
      %dma_start3A_205 = tpu.memref_slice %arg22[%dma_start3A_203, %dma_start3A_204] : memref<5120x128xf32, #tpu.memory_space<vmem_shared>> -> memref<5120x128xf32, #tpu.memory_space<vmem_shared>>
      tpu.enqueue_indirect_dma source(%arg20 : memref<88x128xf32, #tpu.memory_space<vmem>>) target(%dma_start3A_205 : memref<5120x128xf32, #tpu.memory_space<vmem_shared>>) offsets(%arg15 : memref<88xi32, #tpu.memory_space<vmem>>) semaphore(%arg42 : memref<!tpu.dma_semaphore, #tpu.memory_space<semaphore_mem>>) {add = true}
      %dma_wait3A_206 = arith.constant 0 : i32
      %dma_wait3A_207 = arith.constant 0 : i32
      %dma_wait3A_208 = tpu.memref_slice %arg2[%dma_wait3A_206, %dma_wait3A_207] : memref<5008x128xf32, #tpu.memory_space<hbm>> -> memref<5008x128xf32, #tpu.memory_space<hbm>>
      tpu.wait_indirect_dma semaphore(%arg34 : memref<!tpu.dma_semaphore, #tpu.memory_space<semaphore_mem>>) src(%dma_wait3A_208 : memref<5008x128xf32, #tpu.memory_space<hbm>>) dst(%arg19 : memref<88x128xf32, #tpu.memory_space<vmem>>)
      %dma_wait3A_209 = tpu.memref_slice %arg4[%multiple_of3A_155] : memref<321024xi32, #tpu.memory_space<hbm>> -> memref<88xi32, #tpu.memory_space<hbm>>
      %dma_wait3A_210 = tpu.memref_slice %arg4[%multiple_of3A_155] : memref<321024xi32, #tpu.memory_space<hbm>> -> memref<88xi32, #tpu.memory_space<hbm>>
      tpu.wait_dma2 semaphore(%arg31 : memref<!tpu.dma_semaphore, #tpu.memory_space<semaphore_mem>>) src(%dma_wait3A_210 : memref<88xi32, #tpu.memory_space<hbm>>) dst(%arg16 : memref<88xi32, #tpu.memory_space<vmem>>)
      %dma_start3A_211 = arith.constant 0 : i32
      %dma_start3A_212 = arith.constant 0 : i32
      %dma_start3A_213 = tpu.memref_slice %arg21[%dma_start3A_211, %dma_start3A_212] : memref<5120x128xf32, #tpu.memory_space<vmem_shared>> -> memref<5120x128xf32, #tpu.memory_space<vmem_shared>>
      tpu.enqueue_indirect_dma source(%arg19 : memref<88x128xf32, #tpu.memory_space<vmem>>) target(%dma_start3A_213 : memref<5120x128xf32, #tpu.memory_space<vmem_shared>>) offsets(%arg16 : memref<88xi32, #tpu.memory_space<vmem>>) semaphore(%arg37 : memref<!tpu.dma_semaphore, #tpu.memory_space<semaphore_mem>>) {add = true}
      %dma_start3A_214 = arith.constant 0 : i32
      %dma_start3A_215 = arith.constant 0 : i32
      %dma_start3A_216 = tpu.memref_slice %arg22[%dma_start3A_214, %dma_start3A_215] : memref<5120x128xf32, #tpu.memory_space<vmem_shared>> -> memref<5120x128xf32, #tpu.memory_space<vmem_shared>>
      tpu.enqueue_indirect_dma source(%arg20 : memref<88x128xf32, #tpu.memory_space<vmem>>) target(%dma_start3A_216 : memref<5120x128xf32, #tpu.memory_space<vmem_shared>>) offsets(%arg16 : memref<88xi32, #tpu.memory_space<vmem>>) semaphore(%arg43 : memref<!tpu.dma_semaphore, #tpu.memory_space<semaphore_mem>>) {add = true}
    }
    %scan3A_9 = arith.constant 19 : i32
    %dma_wait3A = arith.constant 0 : i32
    %dma_wait3A_10 = arith.constant 0 : i32
    %dma_wait3A_11 = tpu.memref_slice %arg22[%dma_wait3A, %dma_wait3A_10] : memref<5120x128xf32, #tpu.memory_space<vmem_shared>> -> memref<5120x128xf32, #tpu.memory_space<vmem_shared>>
    tpu.wait_indirect_dma semaphore(%arg38 : memref<!tpu.dma_semaphore, #tpu.memory_space<semaphore_mem>>) src(%arg20 : memref<88x128xf32, #tpu.memory_space<vmem>>) dst(%dma_wait3A_11 : memref<5120x128xf32, #tpu.memory_space<vmem_shared>>)
    %dma_wait3A_12 = arith.constant 0 : i32
    %dma_wait3A_13 = arith.constant 0 : i32
    %dma_wait3A_14 = tpu.memref_slice %arg22[%dma_wait3A_12, %dma_wait3A_13] : memref<5120x128xf32, #tpu.memory_space<vmem_shared>> -> memref<5120x128xf32, #tpu.memory_space<vmem_shared>>
    tpu.wait_indirect_dma semaphore(%arg39 : memref<!tpu.dma_semaphore, #tpu.memory_space<semaphore_mem>>) src(%arg20 : memref<88x128xf32, #tpu.memory_space<vmem>>) dst(%dma_wait3A_14 : memref<5120x128xf32, #tpu.memory_space<vmem_shared>>)
    %dma_wait3A_15 = arith.constant 0 : i32
    %dma_wait3A_16 = arith.constant 0 : i32
    %dma_wait3A_17 = tpu.memref_slice %arg22[%dma_wait3A_15, %dma_wait3A_16] : memref<5120x128xf32, #tpu.memory_space<vmem_shared>> -> memref<5120x128xf32, #tpu.memory_space<vmem_shared>>
    tpu.wait_indirect_dma semaphore(%arg40 : memref<!tpu.dma_semaphore, #tpu.memory_space<semaphore_mem>>) src(%arg20 : memref<88x128xf32, #tpu.memory_space<vmem>>) dst(%dma_wait3A_17 : memref<5120x128xf32, #tpu.memory_space<vmem_shared>>)
    %dma_wait3A_18 = arith.constant 0 : i32
    %dma_wait3A_19 = arith.constant 0 : i32
    %dma_wait3A_20 = tpu.memref_slice %arg22[%dma_wait3A_18, %dma_wait3A_19] : memref<5120x128xf32, #tpu.memory_space<vmem_shared>> -> memref<5120x128xf32, #tpu.memory_space<vmem_shared>>
    tpu.wait_indirect_dma semaphore(%arg41 : memref<!tpu.dma_semaphore, #tpu.memory_space<semaphore_mem>>) src(%arg20 : memref<88x128xf32, #tpu.memory_space<vmem>>) dst(%dma_wait3A_20 : memref<5120x128xf32, #tpu.memory_space<vmem_shared>>)
    %dma_wait3A_21 = arith.constant 0 : i32
    %dma_wait3A_22 = arith.constant 0 : i32
    %dma_wait3A_23 = tpu.memref_slice %arg22[%dma_wait3A_21, %dma_wait3A_22] : memref<5120x128xf32, #tpu.memory_space<vmem_shared>> -> memref<5120x128xf32, #tpu.memory_space<vmem_shared>>
    tpu.wait_indirect_dma semaphore(%arg42 : memref<!tpu.dma_semaphore, #tpu.memory_space<semaphore_mem>>) src(%arg20 : memref<88x128xf32, #tpu.memory_space<vmem>>) dst(%dma_wait3A_23 : memref<5120x128xf32, #tpu.memory_space<vmem_shared>>)
    %dma_wait3A_24 = arith.constant 0 : i32
    %dma_wait3A_25 = arith.constant 0 : i32
    %dma_wait3A_26 = tpu.memref_slice %arg22[%dma_wait3A_24, %dma_wait3A_25] : memref<5120x128xf32, #tpu.memory_space<vmem_shared>> -> memref<5120x128xf32, #tpu.memory_space<vmem_shared>>
    tpu.wait_indirect_dma semaphore(%arg43 : memref<!tpu.dma_semaphore, #tpu.memory_space<semaphore_mem>>) src(%arg20 : memref<88x128xf32, #tpu.memory_space<vmem>>) dst(%dma_wait3A_26 : memref<5120x128xf32, #tpu.memory_space<vmem_shared>>)
    %dma_wait3A_27 = arith.constant 0 : i32
    %dma_wait3A_28 = arith.constant 0 : i32
    %dma_wait3A_29 = tpu.memref_slice %arg21[%dma_wait3A_27, %dma_wait3A_28] : memref<5120x128xf32, #tpu.memory_space<vmem_shared>> -> memref<5120x128xf32, #tpu.memory_space<vmem_shared>>
    tpu.wait_indirect_dma semaphore(%arg35 : memref<!tpu.dma_semaphore, #tpu.memory_space<semaphore_mem>>) src(%arg17 : memref<88x128xf32, #tpu.memory_space<vmem>>) dst(%dma_wait3A_29 : memref<5120x128xf32, #tpu.memory_space<vmem_shared>>)
    %dma_wait3A_30 = arith.constant 0 : i32
    %dma_wait3A_31 = arith.constant 0 : i32
    %dma_wait3A_32 = tpu.memref_slice %arg21[%dma_wait3A_30, %dma_wait3A_31] : memref<5120x128xf32, #tpu.memory_space<vmem_shared>> -> memref<5120x128xf32, #tpu.memory_space<vmem_shared>>
    tpu.wait_indirect_dma semaphore(%arg36 : memref<!tpu.dma_semaphore, #tpu.memory_space<semaphore_mem>>) src(%arg18 : memref<88x128xf32, #tpu.memory_space<vmem>>) dst(%dma_wait3A_32 : memref<5120x128xf32, #tpu.memory_space<vmem_shared>>)
    %dma_wait3A_33 = arith.constant 0 : i32
    %dma_wait3A_34 = arith.constant 0 : i32
    %dma_wait3A_35 = tpu.memref_slice %arg21[%dma_wait3A_33, %dma_wait3A_34] : memref<5120x128xf32, #tpu.memory_space<vmem_shared>> -> memref<5120x128xf32, #tpu.memory_space<vmem_shared>>
    tpu.wait_indirect_dma semaphore(%arg37 : memref<!tpu.dma_semaphore, #tpu.memory_space<semaphore_mem>>) src(%arg19 : memref<88x128xf32, #tpu.memory_space<vmem>>) dst(%dma_wait3A_35 : memref<5120x128xf32, #tpu.memory_space<vmem_shared>>)
    %barrier3A_36 = arith.constant 0 : index
    tpu.barrier barrier_id(%barrier3A_36)
    %run_scoped3A = arith.constant 0 : i32
    "tpu.region"() ({
      %run_scoped3A_38 = tpu.sem_alloc : memref<!tpu.dma_semaphore, #tpu.memory_space<semaphore_mem>>
      %dma_start3A = arith.constant 0 : i32
      %dma_start3A_39 = tpu.memref_slice %arg7[%arg0, %run_scoped3A, %multiple_of3A, %dma_start3A] : memref<2x2x5120x128xf32, #tpu.memory_space<hbm>> -> memref<1x1x320x128xf32, #tpu.memory_space<hbm>>
      %dma_start3A_40 = tpu.memref_squeeze %dma_start3A_39 : memref<1x1x320x128xf32, #tpu.memory_space<hbm>> -> memref<320x128xf32, #tpu.memory_space<hbm>>
      %dma_start3A_41 = arith.constant 0 : i32
      %dma_start3A_42 = tpu.memref_slice %arg21[%multiple_of3A, %dma_start3A_41] : memref<5120x128xf32, #tpu.memory_space<vmem_shared>> -> memref<320x128xf32, #tpu.memory_space<vmem_shared>>
      tpu.enqueue_dma source(%dma_start3A_42 : memref<320x128xf32, #tpu.memory_space<vmem_shared>>) target(%dma_start3A_40 : memref<320x128xf32, #tpu.memory_space<hbm>>) target_semaphore(%run_scoped3A_38 : memref<!tpu.dma_semaphore, #tpu.memory_space<semaphore_mem>>)
      %dma_wait3A_43 = arith.constant 0 : i32
      %dma_wait3A_44 = tpu.memref_slice %arg7[%arg0, %run_scoped3A, %multiple_of3A, %dma_wait3A_43] : memref<2x2x5120x128xf32, #tpu.memory_space<hbm>> -> memref<1x1x320x128xf32, #tpu.memory_space<hbm>>
      %dma_wait3A_45 = tpu.memref_squeeze %dma_wait3A_44 : memref<1x1x320x128xf32, #tpu.memory_space<hbm>> -> memref<320x128xf32, #tpu.memory_space<hbm>>
      %dma_wait3A_46 = arith.constant 0 : i32
      %dma_wait3A_47 = tpu.memref_slice %arg21[%multiple_of3A, %dma_wait3A_46] : memref<5120x128xf32, #tpu.memory_space<vmem_shared>> -> memref<320x128xf32, #tpu.memory_space<vmem_shared>>
      tpu.wait_dma2 semaphore(%run_scoped3A_38 : memref<!tpu.dma_semaphore, #tpu.memory_space<semaphore_mem>>) src(%dma_wait3A_47 : memref<320x128xf32, #tpu.memory_space<vmem_shared>>) dst(%dma_wait3A_45 : memref<320x128xf32, #tpu.memory_space<hbm>>)
      tpu.yield
    }) : () -> ()
    %run_scoped3A_37 = arith.constant 1 : i32
    "tpu.region"() ({
      %run_scoped3A_38 = tpu.sem_alloc : memref<!tpu.dma_semaphore, #tpu.memory_space<semaphore_mem>>
      %dma_start3A = arith.constant 0 : i32
      %dma_start3A_39 = tpu.memref_slice %arg7[%arg0, %run_scoped3A_37, %multiple_of3A, %dma_start3A] : memref<2x2x5120x128xf32, #tpu.memory_space<hbm>> -> memref<1x1x320x128xf32, #tpu.memory_space<hbm>>
      %dma_start3A_40 = tpu.memref_squeeze %dma_start3A_39 : memref<1x1x320x128xf32, #tpu.memory_space<hbm>> -> memref<320x128xf32, #tpu.memory_space<hbm>>
      %dma_start3A_41 = arith.constant 0 : i32
      %dma_start3A_42 = tpu.memref_slice %arg22[%multiple_of3A, %dma_start3A_41] : memref<5120x128xf32, #tpu.memory_space<vmem_shared>> -> memref<320x128xf32, #tpu.memory_space<vmem_shared>>
      tpu.enqueue_dma source(%dma_start3A_42 : memref<320x128xf32, #tpu.memory_space<vmem_shared>>) target(%dma_start3A_40 : memref<320x128xf32, #tpu.memory_space<hbm>>) target_semaphore(%run_scoped3A_38 : memref<!tpu.dma_semaphore, #tpu.memory_space<semaphore_mem>>)
      %dma_wait3A_43 = arith.constant 0 : i32
      %dma_wait3A_44 = tpu.memref_slice %arg7[%arg0, %run_scoped3A_37, %multiple_of3A, %dma_wait3A_43] : memref<2x2x5120x128xf32, #tpu.memory_space<hbm>> -> memref<1x1x320x128xf32, #tpu.memory_space<hbm>>
      %dma_wait3A_45 = tpu.memref_squeeze %dma_wait3A_44 : memref<1x1x320x128xf32, #tpu.memory_space<hbm>> -> memref<320x128xf32, #tpu.memory_space<hbm>>
      %dma_wait3A_46 = arith.constant 0 : i32
      %dma_wait3A_47 = tpu.memref_slice %arg22[%multiple_of3A, %dma_wait3A_46] : memref<5120x128xf32, #tpu.memory_space<vmem_shared>> -> memref<320x128xf32, #tpu.memory_space<vmem_shared>>
      tpu.wait_dma2 semaphore(%run_scoped3A_38 : memref<!tpu.dma_semaphore, #tpu.memory_space<semaphore_mem>>) src(%dma_wait3A_47 : memref<320x128xf32, #tpu.memory_space<vmem_shared>>) dst(%dma_wait3A_45 : memref<320x128xf32, #tpu.memory_space<hbm>>)
      tpu.yield
    }) : () -> ()
    return
  }
}

module attributes {stable_mosaic.version = 14 : i64} {
  func.func @body(%arg0: memref<2x2x5120x128xf32, #tpu.memory_space<vmem>>, %arg1: memref<128x128xf32, #tpu.memory_space<vmem>>, %arg2: memref<1x128xf32, #tpu.memory_space<vmem>>, %arg3: memref<5120x128xf32, #tpu.memory_space<vmem>>) attributes {dimension_semantics = [], scalar_prefetch = 0 : i64, scratch_operands = 0 : i64, tpu.core_type = #tpu.core_type<tc>} {
    %get3A = arith.constant 0 : index
    %get3A_0 = arith.constant 0 : index
    %get3A_1 = arith.constant 0 : index
    %get3A_2 = arith.constant 0 : index
    %get3A_3 = vector.load %arg0[%get3A, %get3A_0, %get3A_1, %get3A_2] : memref<2x2x5120x128xf32, #tpu.memory_space<vmem>>, vector<1x1x5120x128xf32>
    %get3A_4 = vector.shape_cast %get3A_3 : vector<1x1x5120x128xf32> to vector<5120x128xf32>
    %get3A_5 = arith.constant 1 : index
    %get3A_6 = arith.constant 0 : index
    %get3A_7 = arith.constant 0 : index
    %get3A_8 = arith.constant 0 : index
    %get3A_9 = vector.load %arg0[%get3A_5, %get3A_6, %get3A_7, %get3A_8] : memref<2x2x5120x128xf32, #tpu.memory_space<vmem>>, vector<1x1x5120x128xf32>
    %get3A_10 = vector.shape_cast %get3A_9 : vector<1x1x5120x128xf32> to vector<5120x128xf32>
    %add3A = arith.addf %get3A_4, %get3A_10 : vector<5120x128xf32>
    %get3A_11 = arith.constant 0 : index
    %get3A_12 = arith.constant 1 : index
    %get3A_13 = arith.constant 0 : index
    %get3A_14 = arith.constant 0 : index
    %get3A_15 = vector.load %arg0[%get3A_11, %get3A_12, %get3A_13, %get3A_14] : memref<2x2x5120x128xf32, #tpu.memory_space<vmem>>, vector<1x1x5120x128xf32>
    %get3A_16 = vector.shape_cast %get3A_15 : vector<1x1x5120x128xf32> to vector<5120x128xf32>
    %get3A_17 = arith.constant 1 : index
    %get3A_18 = arith.constant 1 : index
    %get3A_19 = arith.constant 0 : index
    %get3A_20 = arith.constant 0 : index
    %get3A_21 = vector.load %arg0[%get3A_17, %get3A_18, %get3A_19, %get3A_20] : memref<2x2x5120x128xf32, #tpu.memory_space<vmem>>, vector<1x1x5120x128xf32>
    %get3A_22 = vector.shape_cast %get3A_21 : vector<1x1x5120x128xf32> to vector<5120x128xf32>
    %add3A_23 = arith.addf %get3A_16, %get3A_22 : vector<5120x128xf32>
    %max3A = arith.constant 1.000000e+00 : f32
    %max3A_24 = vector.broadcast %max3A : f32 to vector<5120x128xf32>
    %max3A_25 = arith.maximumf %add3A_23, %max3A_24 : vector<5120x128xf32>
    %div3A = arith.divf %add3A, %max3A_25 : vector<5120x128xf32>
    %get3A_26 = arith.constant 0 : index
    %get3A_27 = arith.constant 0 : index
    %get3A_28 = vector.load %arg1[%get3A_26, %get3A_27] : memref<128x128xf32, #tpu.memory_space<vmem>>, vector<128x128xf32>
    %dot_general3A = arith.constant dense<0.000000e+00> : vector<5120x128xf32>
    %dot_general3A_29 = tpu.matmul %div3A, %get3A_28, %dot_general3A {dimension_numbers = #tpu.dot_dimension_numbers<[1], [0], [0], [1], [0, 0, 1, 1], [], []>, transpose_lhs_hint = false} : vector<5120x128xf32>, vector<128x128xf32>, vector<5120x128xf32> -> vector<5120x128xf32>
    %get3A_30 = arith.constant 0 : index
    %get3A_31 = arith.constant 0 : index
    %get3A_32 = vector.load %arg2[%get3A_30, %get3A_31] : memref<1x128xf32, #tpu.memory_space<vmem>>, vector<1x128xf32>
    %add3A_33 = vector.broadcast %get3A_32 : vector<1x128xf32> to vector<5120x128xf32>
    %add3A_34 = arith.addf %dot_general3A_29, %add3A_33 : vector<5120x128xf32>
    %swap3A = arith.constant 0 : index
    %swap3A_35 = arith.constant 0 : index
    %swap3A_36 = vector.load %arg3[%swap3A, %swap3A_35] : memref<5120x128xf32, #tpu.memory_space<vmem>>, vector<5120x128xf32>
    tpu.vector_store %arg3[%swap3A, %swap3A_35], %add3A_34 {strides = array<i32>} : memref<5120x128xf32, #tpu.memory_space<vmem>>, vector<5120x128xf32>,
    return
  }
}

</mosaic_0001>

<sc_bundles>
// kernel: kernel.4.cloned.1.call-start
scs
__scs_entry_jumppad:
0x0: {  	(pc) =	sbr.rel $0x88, $3  }
0x1: {  	(tag) =	ssettag $0x0;
	lr =	simm.s32 $0x1  }
0x2: {  	[smem:$0x3F9D] =	sst lr;
	_ =	strace $0xD0000000  }
0x3: {  	_ = 	snop  }
0x4: {  	_ = 	snop  }
0x5: {  	_ = 	snop  }
0x6: {  	_ = 	snop  }
0x7: {  	_ = 	snop  }
__scs_overlays_trampoline_lowered:
0x8: {  	[smem:$0x3FAC] =	sst s0  }
0x9: {  	[smem:$0x3FAD] =	sst s1  }
0xa: {  	[smem:$0x3FAE] =	sst s2  }
0xb: {  	[smem:$0x3FAF] =	sst s3  }
0xc: {  	[smem:$0x3FB0] =	sst s4  }
0xd: {  	[smem:$0x3FB1] =	sst s5  }
0xe: {  	[smem:$0x3FB2] =	sst s6  }
0xf: {  	[smem:$0x3FB3] =	sst s7  }
0x10: {  	[smem:$0x3FB4] =	sst s8  }
0x11: {  	[smem:$0x3FB5] =	sst s9;
	s0 =	simm.s32 @!p0 $0x0  }
0x12: {  	s1 =	sld [smem:$0x3F9B];
	s0 =	simm.s32 @p0 $0x1  }
0x13: {  	[smem:$0x3FB6] =	sst s0;
	s0 =	simm.s32 @!p1 $0x0  }
0x14: {  	s2 =	sld [smem:$0x3F9A];
	s0 =	simm.s32 @p1 $0x1  }
0x15: {  	[smem:$0x3FB7] =	sst s0;
	s0 =	simm.s32 @!p2 $0x0  }
0x16: {  	s3 =	sld [smem:$0x3FDB];
	s0 =	simm.s32 @p2 $0x1  }
0x17: {  	s4 =	simm.s32 $0x1BF5;
	[smem:$0x3FB9] =	sst s0  }
0x18: {  	s0 =	sld [smem:$0x3F9C];
	_ =	swait.ge [sflag:s4], $0x0  }
0x19: {  	s7 =	sld [smem:$0x3F9D]  }
0x1a: {  	s8 =	sadd.s32 $0xFFFFE003, lr  }
0x1b: {  	s9 =	sadd.s32 $0xFFFFFEF7, lr;
	s5 =	simm.s32 $0xFFFFFFFF;
	p2 =	slt.u32 s8, $0xFFFFF086  }
0x1c: {  	p1 =	slt.u32 s9, $0xF7A;
	s5 =	simm.s32 @!p2 $0x0  }
0x1d: {  	s5 =	simm.s32 @p1 $0x1;
	p0 =	seq.s32 s7, s2  }
0x1e: {  	s7 =	smul.u32 @!p0 $0xF7A, s2;
	p2 =	seq.s32 @!p0 s5, $0x0  }
0x1f: {  	s9 =	smul.u32 $0xF7A, s1;
	s8 =	simm.s32 @!p0 $0x1BF5;
	p2 =	por !p2, p0  }
0x20: {  	[sflag:s8] =	ssyncset.s32 @!p0 $0xFFFFF086;
	s6 =	sadd.s32 @!p0 s3, s7;
	s7 =	simm.s32 @!p0 $0x108  }
0x21: {  	s3 =	sadd.s32 s3, s9;
	s6 =	sadd.s32 @!p0 $0x88, s6;
	s7 =	simm.s32 @p2 $0x1082  }
0x22: {  	[simem:s7], [sflag:s8] =	dma.local @!p0 [hbm:s6], $0xF7A  }
0x23: {  	s9 =	sor.u32 $0xD0000000, s2;
	s6 =	simm.s32 $0x108;
	_ =	swait.ge @!p0 [sflag:s8], $0x0  }
0x24: {  	s3 =	sadd.s32 $0x88, s3;
	s6 =	simm.s32 @!p1 $0x1082;
	[sflag:s4] =	ssyncset.s32 $0xFFFFF086  }
0x25: {  	[simem:s6], [sflag:s4] =	dma.local [hbm:s3], $0xF7A  }
0x26: {  	[smem:$0x3F9D] =	sst s1;
	(tag) =	ssettag s2;
	_ =	strace s9  }
0x27: {  	s1 =	sld [smem:$0x3FAD]  }
0x28: {  	s2 =	sld [smem:$0x3FAE]  }
0x29: {  	s4 =	sld [smem:$0x3FB0]  }
0x2a: {  	p0 =	seq.s32 s5, $0x0;
	s5 =	sld [smem:$0x3FB1]  }
0x2b: {  	s6 =	sld [smem:$0x3FB2]  }
0x2c: {  	s7 =	sld [smem:$0x3FB3]  }
0x2d: {  	s3 =	simm.s32 $0x108;
	s8 =	sld [smem:$0x3FB4]  }
0x2e: {  	s3 =	simm.s32 @!p0 $0x1082;
	s9 =	sld [smem:$0x3FB5]  }
0x2f: {  	lr =	sadd.s32 s0, s3;
	s0 =	sld [smem:$0x3FAC]  }
0x30: {  	s3 =	sld [smem:$0x3FAF]  }
0x31: {  	[smem:$0x3FB8] =	sst s10  }
0x32: {  	s10 =	sld [smem:$0x3FB6];
	_ =	sdelay $0x3  }
0x33: {  	p0 =	seq.s32 s10, $0x1;
	s10 =	sld [smem:$0x3FB8];
	_ =	sdelay $0x3  }
0x34: {  	[smem:$0x3FB8] =	sst s10  }
0x35: {  	s10 =	sld [smem:$0x3FB7];
	_ =	sdelay $0x3  }
0x36: {  	p1 =	seq.s32 s10, $0x1;
	s10 =	sld [smem:$0x3FB8];
	_ =	sdelay $0x3  }
0x37: {  	[smem:$0x3FB8] =	sst s10  }
0x38: {  	s10 =	sld [smem:$0x3FB9]  }
0x39: {  	_ = 	snop;
	(pc) =	sbr.ind lr, $3  }
0x3a: {  	_ = 	snop  }
0x3b: {  	_ = 	snop  }
0x3c: {  	p2 =	seq.s32 s10, $0x1;
	s10 =	sld [smem:$0x3FB8]  }
0x3d: {  	_ =	shalt  }
0x3e: {  	_ =	shalt  }
0x3f: {  	_ =	shalt  }
0x40: {  	_ =	shalt  }
0x41: {  	_ =	shalt  }
0x42: {  	_ =	shalt  }
0x43: {  	_ =	shalt  }
0x44: {  	_ =	shalt  }
0x45: {  	_ =	shalt  }
0x46: {  	_ =	shalt  }
0x47: {  	_ =	shalt  }
0x48: {  	_ =	shalt  }
0x49: {  	_ =	shalt  }
0x4a: {  	_ =	shalt  }
0x4b: {  	_ =	shalt  }
0x4c: {  	_ =	shalt  }
0x4d: {  	_ =	shalt  }
0x4e: {  	_ =	shalt  }
0x4f: {  	_ =	shalt  }
0x50: {  	_ =	shalt  }
0x51: {  	_ =	shalt  }
0x52: {  	_ =	shalt  }
0x53: {  	_ =	shalt  }
0x54: {  	_ =	shalt  }
0x55: {  	_ =	shalt  }
0x56: {  	_ =	shalt  }
0x57: {  	_ =	shalt  }
0x58: {  	_ =	shalt  }
0x59: {  	_ =	shalt  }
0x5a: {  	_ =	shalt  }
0x5b: {  	_ =	shalt  }
0x5c: {  	_ =	shalt  }
0x5d: {  	_ =	shalt  }
0x5e: {  	_ =	shalt  }
0x5f: {  	_ =	shalt  }
0x60: {  	_ =	shalt  }
0x61: {  	_ =	shalt  }
0x62: {  	_ =	shalt  }
0x63: {  	_ =	shalt  }
0x64: {  	_ =	shalt  }
0x65: {  	_ =	shalt  }
0x66: {  	_ =	shalt  }
0x67: {  	_ =	shalt  }
0x68: {  	_ =	shalt  }
0x69: {  	_ =	shalt  }
0x6a: {  	_ =	shalt  }
0x6b: {  	_ =	shalt  }
0x6c: {  	_ =	shalt  }
0x6d: {  	_ =	shalt  }
0x6e: {  	_ =	shalt  }
0x6f: {  	_ =	shalt  }
0x70: {  	_ =	shalt  }
0x71: {  	_ =	shalt  }
0x72: {  	_ =	shalt  }
0x73: {  	_ =	shalt  }
0x74: {  	_ =	shalt  }
0x75: {  	_ =	shalt  }
0x76: {  	_ =	shalt  }
0x77: {  	_ =	shalt  }
0x78: {  	_ =	shalt  }
0x79: {  	_ =	shalt  }
0x7a: {  	_ =	shalt  }
0x7b: {  	_ =	shalt  }
0x7c: {  	_ =	shalt  }
0x7d: {  	_ =	shalt  }
0x7e: {  	_ =	shalt  }
0x7f: {  	_ =	shalt  }
0x80: {  	_ =	shalt  }
0x81: {  	_ =	shalt  }
0x82: {  	_ =	shalt  }
0x83: {  	_ =	shalt  }
0x84: {  	_ =	shalt  }
0x85: {  	_ =	shalt  }
0x86: {  	_ =	shalt  }
0x87: {  	_ =	shalt  }
.Lfunc_end0:
.L_simem_size_0:
called_computation_lowered:
.L_overlay_start_0:
0x88: {  	s2 =	sld [smem:$0x3FD9]  }
0x89: {  	s3 =	sld [smem:$0x3FFE];
	_ =	sdelay $0x1  }
0x8a: {  	s1 =	srdreg.scid  }
0x8b: {  	s0 =	sand.u32 $0x1, s1  }
0x8c: {  	s17 =	sshll.u32 s0, $0xA;
	s2 =	sadd.s32 s3, s2  }
0x8d: {  	s2 =	sadd.s32 s2, s17  }
0x8e: {  	[smem:$0x3FC4] =	sst s2  }
0x8f: {  	_ = 	snop  }
0x90: {  	s2 =	sld [smem:$0x3FD0];
	(tm) =	ssettm $0x1  }
0x91: {  	s18 =	sld [smem:$0x3FFB];
	_ =	sdelay $0x3  }
0x92: {  	_ =	strace s18  }
0x93: {  	s3 =	sld [smem:$0x3FFC];
	_ =	sdelay $0x3  }
0x94: {  	_ =	strace s3  }
0x95: {  	s3 =	sld [smem:$0x3FFD];
	_ =	sdelay $0x3  }
0x96: {  	_ =	strace s3  }
0x97: {  	_ =	strace $0x8FFFFFFF  }
0x98: {  	s19 =	sld [smem:$0x3FDB];
	_ =	sdelay $0x1  }
0x99: {  	s4 =	simm.s32 $_scs_section_size  }
0x9a: {  	s5 =	simm.s32 $_size__tile_overlayer_lowered;
	s6 =	simm.s32 $_tile_overlayer_lowered  }
0x9b: {  	s22 =	simm.s32 $0x1BFF;
	s21 =	sshll.u32 s6, $0x1;
	s3 =	sadd.s32 s4, s19  }
0x9c: {  	s7 =	simm.s32 $0x0;
	s20 =	sshll.u32 s5, $0x1;
	s5 =	sadd.s32 s21, s3  }
0x9d: {  	[timem:s7], [sflag:s22] =	dma.local [hbm:s5], s20  }
0x9e: {  	_ =	swait.ge [sflag:s22], s20  }
0x9f: {  	s4 =	ssub.s32 $0x0, s20;
	[sflag:s22] =	ssyncset.done $0x0  }
0xa0: {  	[sflag:s22] =	ssyncadd.s32 s4;
	_ =	sdelay $0x1  }
0xa1: {  	s23 =	simm.s32 $0x1B8B  }
0xa2: {  	_ =	swait.ge [sflag:s23], $0x1  }
0xa3: {  	[sflag:s23] =	ssyncset.done $0x0  }
0xa4: {  	s25 =	simm.s32 $0x1B8E;
	s24 =	sld [smem:$0x3FFE];
	[sflag:s23] =	ssyncadd.s32 $0xFFFFFFFF  }
0xa5: {  	s26 =	simm.s32 $execute0_lowered;
	[smem:$0x3FD2] =	sst s25  }
0xa6: {  	s5 =	sshll.u32 s26, $0x1;
	_ =	strace $0x80000046;
	[dreg:$0x1] =	wrdreg $0xFFFFFFFF  }
0xa7: {  	s28 =	simm.s32 $_size_execute0_lowered;
	s3 =	sadd.s32 s3, s5;
	[dreg:$0x0] =	wrdreg $0x0  }
0xa8: {  	s5 =	sshll.u32 s28, $0x1;
	[dreg:$0x2] =	wrdreg s3  }
0xa9: {  	[dreg:$0x3] =	wrdreg s5  }
0xaa: {  	[dreg:$0x4] =	wrdreg $0xC0  }
0xab: {  	_ =	task [dreg:s7], $0x5FFFF  }
0xac: {  	[dreg:$0x1] =	wrdreg $0xFFFFFFFF  }
0xad: {  	[dreg:$0x0] =	wrdreg $0x60  }
0xae: {  	[dreg:$0x2] =	wrdreg s24  }
0xaf: {  	[dreg:$0x3] =	wrdreg s2  }
0xb0: {  	[dreg:$0x4] =	wrdreg $0xB4800  }
0xb1: {  	[dreg:$0x5] =	wrdreg $0x154800  }
0xb2: {  	[dreg:$0x6] =	wrdreg $0x9  }
0xb3: {  	_ =	task.clear_ibuf [dreg:s7], $0x7FFFF;
	_ =	strace $0x90000046  }
0xb4: {  	s29 =	simm.s32 $0x9;
	_ =	strace $0x80000048  }
0xb5: {  	_ =	swait.ge [sflag:s29], $0x1  }
0xb6: {  	[sflag:s29] =	ssyncadd.s32 $0xFFFFFFFF  }
0xb7: {  	_ =	strace $0x90000048  }
0xb8: {  	_ =	sfence  }
0xb9: {  	s30 =	sld [smem:$0x0];
	_ =	sdelay $0x2  }
0xba: {  	s31 =	sshll.u32 s1, $0xD;
	s1 =	sshrl.u32 s1, $0x2  }
0xbb: {  	s3 =	sand.u32 $0x4000, s31;
	s1 =	sadd.s32 s1, s30  }
0xbc: {  	s0 =	sor.u32 s3, s0;
	s1 =	sshll.u32 s1, $0x11  }
0xbd: {  	s0 =	sor.u32 s1, s0  }
0xbe: {  	s0 =	sadd.s32 $0x8F2B, s0  }
0xbf: {  	[sflag:s0] =	ssyncadd.remote.s32 $0x1  }
0xc0: {  	_ =	sfence.sel $0xFFFF  }
0xc1: {  	[dreg:$0x0] =	wrdreg $0xFFFFFFFF;
	(pc) =	sbr.abs _section_cstart, $3  }
0xc2: {  	[dreg:$0x1] =	wrdreg $0xFFFFFFFF  }
0xc3: {  	_ =	task.clear_ibuf [dreg:s7], $0x2FFFF;
	_ =	strace $0x9FFFFFFF  }
0xc4: {  	(tm) =	ssettm $0x7FFFFFFF  }
0xc5: {  	_ =	shalt  }
tec
execute0_lowered:
.L_overlay_start_1:
0x0: {  	(tag) =	ssettag $0x1  }
0x1: {  	s0 =	rddreg [dreg:$0x0]  }
0x2: {  	s1 =	rddreg [dreg:$0x1]  }
0x3: {  	s2 =	rddreg [dreg:$0x2]  }
0x4: {  	s3 =	rddreg [dreg:$0x3]  }
0x5: {  	s5 =	srdreg.scid;
	s9 =	stileid.u32;
	s4 =	simm.s32 $0x0  }
0x6: {  	s28 =	simm.s32 $0xA;
	s30 =	simm.s32 $0xB;
	s7 =	smul.u32 $0xA000, s9  }
0x7: {  	s6 =	sand.u32 $0x1, s5;
	[smem:$0x7FF] =	sst s4;
	s9 =	smul.u32 $0x4E60, s9  }
0x8: {  	s5 =	sadd.s32 $0x14000, s0;
	s10 =	sadd.s32 $0x400, s0;
	s12 =	sadd.s32 $0xA200, s0  }
0x9: {  	s13 =	sadd.s32 $0x27A00, s0;
	s8 =	smul.u32 $0x140000, s6;
	_ =	strace $0x80000047  }
0xa: {  	s11 =	smul.u32 $0x2730, s6;
	[dreg:$0x11] =	wrdreg s13;
	s6 =	ssub.s32 $0x2, s6  }
0xb: {  	s13 =	simm.s32 $0x8880;
	s19 =	sshrl.u32 s6, $0x1;
	s20 =	sadd.s32 s7, s2  }
0xc: {  	s22 =	sshrl.u32 s7, $0x3;
	s8 =	sadd.s32 s7, s8;
	s9 =	sadd.s32 s11, s9  }
0xd: {  	s6 =	ssub.s32 s6, s19;
	[dreg:$0x12] =	wrdreg s20;
	s1 =	sadd.s32 s1, s22  }
0xe: {  	s7 =	sadd.s32 s7, s3;
	s8 =	sshrl.u32 s8, $0x3;
	s11 =	sadd.s32 $0x1B8, s9  }
0xf: {  	s14 =	sadd.s32 $0x160, s9;
	s26 =	sadd.s32 $0x108, s9;
	[dreg:$0x13] =	wrdreg s1  }
0x10: {  	s15 =	sadd.s32 $0xB0, s9;
	s19 =	sadd.s32 $0x58, s9;
	[dreg:$0x14] =	wrdreg s7  }
0x11: {  	s0 =	sadd.s32 s8, s0;
	s21 =	sshrl.u32 s11, $0x3;
	s24 =	sshrl.u32 s14, $0x3  }
0x12: {  	s31 =	sshrl.u32 s26, $0x3;
	s17 =	sshrl.u32 s15, $0x3;
	s23 =	sadd.s32 s21, s12  }
0x13: {  	s11 =	simm.s32 $0xE;
	s8 =	sadd.s32 s21, s10;
	[dreg:$0x5] =	wrdreg s23  }
0x14: {  	s15 =	simm.s32 $0x9;
	s25 =	sadd.s32 s24, s12;
	[dreg:$0x6] =	wrdreg s8  }
0x15: {  	s29 =	sadd.s32 s24, s10;
	s14 =	sadd.s32 s31, s12;
	[dreg:$0x7] =	wrdreg s25  }
0x16: {  	s16 =	sadd.s32 s31, s10;
	s18 =	sadd.s32 s17, s12;
	[dreg:$0x8] =	wrdreg s29  }
0x17: {  	s20 =	sadd.s32 s17, s10;
	s21 =	sshrl.u32 s19, $0x3;
	[dreg:$0x9] =	wrdreg s14  }
0x18: {  	s24 =	sshrl.u32 s9, $0x3;
	s26 =	sadd.s32 $0x28000, s0;
	[dreg:$0xa] =	wrdreg s16  }
0x19: {  	s0 =	sadd.s32 $0x3C000, s0;
	s31 =	smax.u32 s6, $0x1;
	[dreg:$0xb] =	wrdreg s18  }
0x1a: {  	s19 =	simm.s32 $0x16;
	s6 =	simm.s32 $0x0;
	[dreg:$0xc] =	wrdreg s20  }
0x1b: {  	s22 =	sadd.s32 s21, s12;
	s23 =	sadd.s32 s21, s10;
	[dreg:$0x15] =	wrdreg s26  }
0x1c: {  	s25 =	sadd.s32 s24, s12;
	s29 =	sadd.s32 s24, s10;
	[dreg:$0x16] =	wrdreg s0  }
0x1d: {  	[dreg:$0x17] =	wrdreg s31;
	s16 =	simm.s32 $0x80;
	s18 =	simm.s32 $0x100  }
0x1e: {  	s20 =	simm.s32 $0x1;
	s21 =	simm.s32 $0x58;
	[dreg:$0xd] =	wrdreg s22  }
0x1f: {  	s24 =	simm.s32 $0x3080;
	s26 =	simm.s32 $0x5C80;
	[dreg:$0xe] =	wrdreg s23  }
0x20: {  	s0 =	simm.s32 $0xC;
	s12 =	simm.s32 $0xF;
	[dreg:$0xf] =	wrdreg s25  }
0x21: {  	s8 =	simm.s32 $0x7;
	s14 =	simm.s32 $0x8;
	[dreg:$0x10] =	wrdreg s29  }
0x22: {  	s22 =	simm.s32 $0x480;
	s23 =	simm.s32 $0x2;
	s25 =	simm.s32 $0x3  }
.LBB2_1:
0x23: {  	[dreg:$0x18] =	wrdreg s6  }
0x24: {  	s1 =	rddreg [dreg:$0x11];
	s9 =	stileid.u32  }
0x25: {  	[tilespmem:s13], [sflag:$0x16] =	stream.linear.gather [hbm4b:s1+s4], $0x2C00, $0x38;
	[tilespmem:$0x1F480] =	vst v63  }
0x26: {  	s17 =	sshll.u32 s9, $0x6;
	_ =	swait.ge [sflag:s19], $0x2C00  }
0x27: {  	s7 =	sor.u32 $0x1C16, s17;
	s10 =	rddreg [dreg:$0x12]  }
0x28: {  	[sflag:s19] =	ssyncset.done $0x0;
	s29 =	rddreg [dreg:$0x13];
	s17 =	sshrl.u32 s10, $0x3  }
0x29: {  	[sflag:s19] =	ssyncadd.s32 $0xFFFFD400;
	[dreg:$0x1a] =	wrdreg s17  }
0x2a: {  	[spmem:s17], [sflag:s7] =	dma.local [hbm:s29], $0x1400  }
0x2b: {  	_ =	swait.ge [sflag:s19], $0x1400  }
0x2c: {  	s31 =	rddreg [dreg:$0x14]  }
0x2d: {  	[dreg:$0x19] =	wrdreg s7;
	[sflag:s19] =	ssyncset.done $0x0;
	s6 =	sshrl.u32 s31, $0x3  }
0x2e: {  	[sflag:s19] =	ssyncadd.s32 $0xFFFFEC00;
	[dreg:$0x1b] =	wrdreg s6  }
0x2f: {  	[spmem:s6], [sflag:s7] =	dma.local [hbm:s29], $0x1400  }
0x30: {  	_ =	swait.ge [sflag:s19], $0x1400  }
0x31: {  	[sflag:s19] =	ssyncset.done $0x0  }
0x32: {  	p0 =	por $0x1, $0x1;
	[sflag:s19] =	ssyncadd.s32 $0xFFFFEC00  }
0x33: {  	s17 =	simm.s32 @!p0 $0x10;
	[bflag:$0x0] =	sbarrier.arrive $0xFFFF  }
0x34: {  	_ =	swait.ge @!p0 [sflag:s17], $0x2C00  }
0x35: {  	[sflag:s17] =	ssyncset.done @!p0 $0x0  }
0x36: {  	[sflag:s17] =	ssyncadd.s32 @!p0 $0xFFFFD400;
	s17 =	simm.s32 @!p0 $0x11  }
0x37: {  	_ =	swait.ge @!p0 [sflag:s17], $0x2C00  }
0x38: {  	[sflag:s17] =	ssyncset.done @!p0 $0x0  }
0x39: {  	[sflag:s17] =	ssyncadd.s32 @!p0 $0xFFFFD400;
	s17 =	simm.s32 @!p0 $0x12  }
0x3a: {  	_ =	swait.ge @!p0 [sflag:s17], $0x2C00  }
0x3b: {  	[sflag:s17] =	ssyncset.done @!p0 $0x0  }
0x3c: {  	[sflag:s17] =	ssyncadd.s32 @!p0 $0xFFFFD400;
	s17 =	simm.s32 @!p0 $0x13  }
0x3d: {  	_ =	swait.ge @!p0 [sflag:s17], $0x2C00  }
0x3e: {  	[sflag:s17] =	ssyncset.done @!p0 $0x0  }
0x3f: {  	[sflag:s17] =	ssyncadd.s32 @!p0 $0xFFFFD400;
	s17 =	simm.s32 @!p0 $0x14  }
0x40: {  	_ =	swait.ge @!p0 [sflag:s17], $0x2C00  }
0x41: {  	[sflag:s17] =	ssyncset.done @!p0 $0x0  }
0x42: {  	[sflag:s17] =	ssyncadd.s32 @!p0 $0xFFFFD400;
	s17 =	simm.s32 @!p0 $0x15  }
0x43: {  	_ =	swait.ge @!p0 [sflag:s17], $0x2C00  }
0x44: {  	[sflag:s17] =	ssyncset.done @!p0 $0x0  }
0x45: {  	[sflag:s17] =	ssyncadd.s32 @!p0 $0xFFFFD400;
	s17 =	simm.s32 @!p0 $0xD  }
0x46: {  	_ =	swait.ge @!p0 [sflag:s17], $0x2C00  }
0x47: {  	[sflag:s17] =	ssyncset.done @!p0 $0x0  }
0x48: {  	[sflag:s17] =	ssyncadd.s32 @!p0 $0xFFFFD400;
	s17 =	simm.s32 @!p0 $0xE  }
0x49: {  	_ =	swait.ge @!p0 [sflag:s17], $0x2C00  }
0x4a: {  	[sflag:s17] =	ssyncset.done @!p0 $0x0  }
0x4b: {  	[sflag:s17] =	ssyncadd.s32 @!p0 $0xFFFFD400;
	s17 =	simm.s32 @!p0 $0xF  }
0x4c: {  	_ =	swait.ge @!p0 [sflag:s17], $0x2C00  }
0x4d: {  	s7 =	rddreg [dreg:$0x10];
	[sflag:s17] =	ssyncset.done @!p0 $0x0  }
0x4e: {  	s29 =	rddreg [dreg:$0xf];
	[sflag:s17] =	ssyncadd.s32 @!p0 $0xFFFFD400;
	s9 =	sadd.s32 $0x0, s7  }
0x4f: {  	[tilespmem:s4], [sflag:$0x1] =	stream.linear.gather [hbm4b:s9+s4], $0x58, $0x38;
	[tilespmem:$0x1F480] =	vst v63  }
0x50: {  	s1 =	simm.s32 $0x180;
	s10 =	rddreg [dreg:$0xe];
	s29 =	sadd.s32 $0x0, s29  }
0x51: {  	[tilespmem:s1], [sflag:$0x4] =	stream.linear.gather [hbm4b:s29+s4], $0x58, $0x38;
	[tilespmem:$0x1F480] =	vst v63  }
0x52: {  	s31 =	rddreg [dreg:$0xd];
	s17 =	sadd.s32 $0x0, s10  }
0x53: {  	[tilespmem:s16], [sflag:$0x2] =	stream.linear.gather [hbm4b:s17+s4], $0x58, $0x38;
	[tilespmem:$0x1F480] =	vst v63  }
0x54: {  	s6 =	rddreg [dreg:$0xc];
	s19 =	sadd.s32 $0x0, s31;
	s7 =	simm.s32 $0x200  }
0x55: {  	[tilespmem:s7], [sflag:$0x5] =	stream.linear.gather [hbm4b:s19+s4], $0x58, $0x38;
	[tilespmem:$0x1F480] =	vst v63  }
0x56: {  	s10 =	rddreg [dreg:$0xb];
	s17 =	sadd.s32 $0x0, s6  }
0x57: {  	[tilespmem:s18], [sflag:$0x3] =	stream.linear.gather [hbm4b:s17+s4], $0x58, $0x38;
	[tilespmem:$0x1F480] =	vst v63  }
0x58: {  	s29 =	simm.s32 $0x280;
	s19 =	sadd.s32 $0x0, s10  }
0x59: {  	[tilespmem:s29], [sflag:$0x6] =	stream.linear.gather [hbm4b:s19+s4], $0x58, $0x38;
	[tilespmem:$0x1F480] =	vst v63  }
0x5a: {  	_ =	swait.ge [sflag:s20], $0x58  }
0x5b: {  	[sflag:s20] =	ssyncset.done $0x0  }
0x5c: {  	[sflag:s20] =	ssyncadd.s32 $0xFFFFFFA8  }
0x5d: {  	[tilespmem:s22], [sflag:$0xA] =	stream.indirect.gather [hbm4b:s5+s21], $0x80, s4, s21, $0xb8;
	[tilespmem:$0x1F480] =	vst v63  }
0x5e: {  	_ =	swait.ge [sflag:s23], $0x58  }
0x5f: {  	[sflag:s23] =	ssyncset.done $0x0  }
0x60: {  	[sflag:s23] =	ssyncadd.s32 $0xFFFFFFA8  }
0x61: {  	[tilespmem:s24], [sflag:$0xB] =	stream.indirect.gather [hbm4b:s5+s21], $0x80, s16, s21, $0xb8;
	[tilespmem:$0x1F480] =	vst v63  }
0x62: {  	_ =	swait.ge [sflag:s25], $0x58  }
0x63: {  	[sflag:s25] =	ssyncset.done $0x0  }
0x64: {  	[sflag:s25] =	ssyncadd.s32 $0xFFFFFFA8  }
0x65: {  	[tilespmem:s26], [sflag:$0xC] =	stream.indirect.gather [hbm4b:s5+s21], $0x80, s18, s21, $0xb8;
	[tilespmem:$0x1F480] =	vst v63  }
0x66: {  	_ =	swait.ge [sflag:s28], $0x2C00  }
0x67: {  	[sflag:s28] =	ssyncset.done $0x0  }
0x68: {  	s9 =	simm.s32 $0x4;
	[sflag:s28] =	ssyncadd.s32 $0xFFFFD400  }
0x69: {  	_ =	swait.ge [sflag:s9], $0x58  }
0x6a: {  	[sflag:s9] =	ssyncset.done $0x0  }
0x6b: {  	[sflag:s9] =	ssyncadd.s32 $0xFFFFFFA8  }
0x6c: {  	[spmem:s2] =	stream.indirect.scatter.add.f32 [tilespmem:s22], [sflag:$0xD], $0x80, s1, s21, $0xb8;
	[tilespmem:$0x1F480] =	vst v63  }
0x6d: {  	_ = 	snop  }
0x6e: {  	[spmem:s3] =	stream.indirect.scatter.add.f32 [tilespmem:s13], [sflag:$0x10], $0x80, s1, s21, $0xb8;
	[tilespmem:$0x1F480] =	vst v63  }
0x6f: {  	_ =	swait.ge [sflag:s30], $0x2C00  }
0x70: {  	[sflag:s30] =	ssyncset.done $0x0  }
0x71: {  	s31 =	simm.s32 $0x5;
	[sflag:s30] =	ssyncadd.s32 $0xFFFFD400  }
0x72: {  	_ =	swait.ge [sflag:s31], $0x58  }
0x73: {  	[sflag:s31] =	ssyncset.done $0x0  }
0x74: {  	[sflag:s31] =	ssyncadd.s32 $0xFFFFFFA8  }
0x75: {  	[spmem:s2] =	stream.indirect.scatter.add.f32 [tilespmem:s24], [sflag:$0xE], $0x80, s7, s21, $0xb8;
	[tilespmem:$0x1F480] =	vst v63  }
0x76: {  	_ = 	snop  }
0x77: {  	[spmem:s3] =	stream.indirect.scatter.add.f32 [tilespmem:s13], [sflag:$0x11], $0x80, s7, s21, $0xb8;
	[tilespmem:$0x1F480] =	vst v63  }
0x78: {  	_ =	swait.ge [sflag:s0], $0x2C00  }
0x79: {  	[sflag:s0] =	ssyncset.done $0x0  }
0x7a: {  	s6 =	simm.s32 $0x6;
	[sflag:s0] =	ssyncadd.s32 $0xFFFFD400  }
0x7b: {  	_ =	swait.ge [sflag:s6], $0x58  }
0x7c: {  	[sflag:s6] =	ssyncset.done $0x0  }
0x7d: {  	[sflag:s6] =	ssyncadd.s32 $0xFFFFFFA8  }
0x7e: {  	[spmem:s2] =	stream.indirect.scatter.add.f32 [tilespmem:s26], [sflag:$0xF], $0x80, s29, s21, $0xb8;
	[tilespmem:$0x1F480] =	vst v63  }
0x7f: {  	s9 =	rddreg [dreg:$0xa]  }
0x80: {  	[spmem:s3] =	stream.indirect.scatter.add.f32 [tilespmem:s13], [sflag:$0x12], $0x80, s29, s21, $0xb8;
	[tilespmem:$0x1F480] =	vst v63  }
0x81: {  	s10 =	rddreg [dreg:$0x9];
	s17 =	sadd.s32 $0x0, s9  }
0x82: {  	[tilespmem:s4], [sflag:$0x1] =	stream.linear.gather [hbm4b:s17+s4], $0x58, $0x38;
	[tilespmem:$0x1F480] =	vst v63  }
0x83: {  	s1 =	simm.s32 $0x300;
	s19 =	sadd.s32 $0x0, s10;
	s29 =	rddreg [dreg:$0x8]  }
0x84: {  	[tilespmem:s1], [sflag:$0x7] =	stream.linear.gather [hbm4b:s19+s4], $0x58, $0x38;
	[tilespmem:$0x1F480] =	vst v63  }
0x85: {  	s31 =	rddreg [dreg:$0x7];
	s17 =	sadd.s32 $0x0, s29  }
0x86: {  	[tilespmem:s16], [sflag:$0x2] =	stream.linear.gather [hbm4b:s17+s4], $0x58, $0x38;
	[tilespmem:$0x1F480] =	vst v63  }
0x87: {  	s7 =	simm.s32 $0x380;
	s6 =	rddreg [dreg:$0x6];
	s19 =	sadd.s32 $0x0, s31  }
0x88: {  	[tilespmem:s7], [sflag:$0x8] =	stream.linear.gather [hbm4b:s19+s4], $0x58, $0x38;
	[tilespmem:$0x1F480] =	vst v63  }
0x89: {  	s10 =	rddreg [dreg:$0x5];
	s17 =	sadd.s32 $0x0, s6  }
0x8a: {  	[tilespmem:s18], [sflag:$0x3] =	stream.linear.gather [hbm4b:s17+s4], $0x58, $0x38;
	[tilespmem:$0x1F480] =	vst v63  }
0x8b: {  	s29 =	simm.s32 $0x400;
	s19 =	sadd.s32 $0x0, s10  }
0x8c: {  	[tilespmem:s29], [sflag:$0x9] =	stream.linear.gather [hbm4b:s19+s4], $0x58, $0x38;
	[tilespmem:$0x1F480] =	vst v63  }
0x8d: {  	_ =	swait.ge [sflag:s20], $0x58  }
0x8e: {  	[sflag:s20] =	ssyncset.done $0x0  }
0x8f: {  	s31 =	simm.s32 $0xD;
	[sflag:s20] =	ssyncadd.s32 $0xFFFFFFA8  }
0x90: {  	_ =	swait.ge [sflag:s31], $0x2C00  }
0x91: {  	[sflag:s31] =	ssyncset.done $0x0  }
0x92: {  	[sflag:s31] =	ssyncadd.s32 $0xFFFFD400  }
0x93: {  	[tilespmem:s22], [sflag:$0xA] =	stream.indirect.gather [hbm4b:s5+s21], $0x80, s4, s21, $0xb8;
	[tilespmem:$0x1F480] =	vst v63  }
0x94: {  	_ =	swait.ge [sflag:s23], $0x58  }
0x95: {  	[sflag:s23] =	ssyncset.done $0x0  }
0x96: {  	[sflag:s23] =	ssyncadd.s32 $0xFFFFFFA8  }
0x97: {  	_ =	swait.ge [sflag:s11], $0x2C00  }
0x98: {  	[sflag:s11] =	ssyncset.done $0x0  }
0x99: {  	[sflag:s11] =	ssyncadd.s32 $0xFFFFD400  }
0x9a: {  	[tilespmem:s24], [sflag:$0xB] =	stream.indirect.gather [hbm4b:s5+s21], $0x80, s16, s21, $0xb8;
	[tilespmem:$0x1F480] =	vst v63  }
0x9b: {  	_ =	swait.ge [sflag:s25], $0x58  }
0x9c: {  	[sflag:s25] =	ssyncset.done $0x0  }
0x9d: {  	[sflag:s25] =	ssyncadd.s32 $0xFFFFFFA8  }
0x9e: {  	_ =	swait.ge [sflag:s12], $0x2C00  }
0x9f: {  	[sflag:s12] =	ssyncset.done $0x0  }
0xa0: {  	[sflag:s12] =	ssyncadd.s32 $0xFFFFD400  }
0xa1: {  	[tilespmem:s26], [sflag:$0xC] =	stream.indirect.gather [hbm4b:s5+s21], $0x80, s18, s21, $0xb8;
	[tilespmem:$0x1F480] =	vst v63  }
0xa2: {  	_ =	swait.ge [sflag:s28], $0x2C00  }
0xa3: {  	[sflag:s28] =	ssyncset.done $0x0  }
0xa4: {  	[sflag:s28] =	ssyncadd.s32 $0xFFFFD400  }
0xa5: {  	_ =	swait.ge [sflag:s8], $0x58  }
0xa6: {  	[sflag:s8] =	ssyncset.done $0x0  }
0xa7: {  	[sflag:s8] =	ssyncadd.s32 $0xFFFFFFA8  }
0xa8: {  	[spmem:s2] =	stream.indirect.scatter.add.f32 [tilespmem:s22], [sflag:$0xD], $0x80, s1, s21, $0xb8;
	[tilespmem:$0x1F480] =	vst v63  }
0xa9: {  	_ = 	snop  }
0xaa: {  	[spmem:s3] =	stream.indirect.scatter.add.f32 [tilespmem:s13], [sflag:$0x13], $0x80, s1, s21, $0xb8;
	[tilespmem:$0x1F480] =	vst v63  }
0xab: {  	_ =	swait.ge [sflag:s30], $0x2C00  }
0xac: {  	[sflag:s30] =	ssyncset.done $0x0  }
0xad: {  	[sflag:s30] =	ssyncadd.s32 $0xFFFFD400  }
0xae: {  	_ =	swait.ge [sflag:s14], $0x58  }
0xaf: {  	[sflag:s14] =	ssyncset.done $0x0  }
0xb0: {  	[sflag:s14] =	ssyncadd.s32 $0xFFFFFFA8  }
0xb1: {  	[spmem:s2] =	stream.indirect.scatter.add.f32 [tilespmem:s24], [sflag:$0xE], $0x80, s7, s21, $0xb8;
	[tilespmem:$0x1F480] =	vst v63  }
0xb2: {  	_ = 	snop  }
0xb3: {  	[spmem:s3] =	stream.indirect.scatter.add.f32 [tilespmem:s13], [sflag:$0x14], $0x80, s7, s21, $0xb8;
	[tilespmem:$0x1F480] =	vst v63  }
0xb4: {  	_ =	swait.ge [sflag:s0], $0x2C00  }
0xb5: {  	[sflag:s0] =	ssyncset.done $0x0  }
0xb6: {  	[sflag:s0] =	ssyncadd.s32 $0xFFFFD400  }
0xb7: {  	_ =	swait.ge [sflag:s15], $0x58  }
0xb8: {  	p1 =	por $0x0, $0x0;
	[sflag:s15] =	ssyncset.done $0x0  }
0xb9: {  	s17 =	simm.s32 $0x42;
	s19 =	simm.s32 $0x84;
	[sflag:s15] =	ssyncadd.s32 $0xFFFFFFA8  }
0xba: {  	[spmem:s2] =	stream.indirect.scatter.add.f32 [tilespmem:s26], [sflag:$0xF], $0x80, s29, s21, $0xb8;
	[tilespmem:$0x1F480] =	vst v63  }
.LBB2_2:
0xbb: {  	s31 =	simm.s32 @!p1 $0x10;
	s10 =	simm.s32 $0x400  }
0xbc: {  	[spmem:s3] =	stream.indirect.scatter.add.f32 [tilespmem:s13], [sflag:$0x15], $0x80, s10, s21, $0xb8;
	[tilespmem:$0x1F480] =	vst v63  }
0xbd: {  	_ =	swait.ge @!p1 [sflag:s31], $0x2C00  }
0xbe: {  	[sflag:s31] =	ssyncset.done @!p1 $0x0  }
0xbf: {  	[sflag:s31] =	ssyncadd.s32 @!p1 $0xFFFFD400;
	s31 =	simm.s32 @!p1 $0x11  }
0xc0: {  	_ =	swait.ge @!p1 [sflag:s31], $0x2C00  }
0xc1: {  	[sflag:s31] =	ssyncset.done @!p1 $0x0  }
0xc2: {  	[sflag:s31] =	ssyncadd.s32 @!p1 $0xFFFFD400;
	s31 =	simm.s32 @!p1 $0x12  }
0xc3: {  	_ =	swait.ge @!p1 [sflag:s31], $0x2C00  }
0xc4: {  	[sflag:s31] =	ssyncset.done @!p1 $0x0  }
0xc5: {  	[sflag:s31] =	ssyncadd.s32 @!p1 $0xFFFFD400;
	s31 =	simm.s32 @!p1 $0x13  }
0xc6: {  	_ =	swait.ge @!p1 [sflag:s31], $0x2C00  }
0xc7: {  	[sflag:s31] =	ssyncset.done @!p1 $0x0  }
0xc8: {  	[sflag:s31] =	ssyncadd.s32 @!p1 $0xFFFFD400;
	s31 =	simm.s32 @!p1 $0x14  }
0xc9: {  	_ =	swait.ge @!p1 [sflag:s31], $0x2C00  }
0xca: {  	[sflag:s31] =	ssyncset.done @!p1 $0x0  }
0xcb: {  	[sflag:s31] =	ssyncadd.s32 @!p1 $0xFFFFD400;
	s31 =	simm.s32 @!p1 $0x15  }
0xcc: {  	_ =	swait.ge @!p1 [sflag:s31], $0x2C00  }
0xcd: {  	[sflag:s31] =	ssyncset.done @!p1 $0x0  }
0xce: {  	[sflag:s31] =	ssyncadd.s32 @!p1 $0xFFFFD400;
	s31 =	simm.s32 @!p1 $0xD  }
0xcf: {  	_ =	swait.ge @!p1 [sflag:s31], $0x2C00  }
0xd0: {  	[sflag:s31] =	ssyncset.done @!p1 $0x0  }
0xd1: {  	[sflag:s31] =	ssyncadd.s32 @!p1 $0xFFFFD400;
	s31 =	simm.s32 @!p1 $0xE  }
0xd2: {  	_ =	swait.ge @!p1 [sflag:s31], $0x2C00  }
0xd3: {  	[sflag:s31] =	ssyncset.done @!p1 $0x0  }
0xd4: {  	[sflag:s31] =	ssyncadd.s32 @!p1 $0xFFFFD400;
	s31 =	simm.s32 @!p1 $0xF  }
0xd5: {  	_ =	swait.ge @!p1 [sflag:s31], $0x2C00  }
0xd6: {  	s1 =	rddreg [dreg:$0x10];
	[sflag:s31] =	ssyncset.done @!p1 $0x0  }
0xd7: {  	s6 =	rddreg [dreg:$0xf];
	[sflag:s31] =	ssyncadd.s32 @!p1 $0xFFFFD400;
	s1 =	sadd.s32 s17, s1  }
0xd8: {  	[tilespmem:s4], [sflag:$0x1] =	stream.linear.gather [hbm4b:s1+s4], $0x58, $0x38;
	[tilespmem:$0x1F480] =	vst v63  }
0xd9: {  	s7 =	simm.s32 $0x180;
	s31 =	rddreg [dreg:$0xe];
	s9 =	sadd.s32 s17, s6  }
0xda: {  	[tilespmem:s7], [sflag:$0x4] =	stream.linear.gather [hbm4b:s9+s4], $0x58, $0x38;
	[tilespmem:$0x1F480] =	vst v63  }
0xdb: {  	s6 =	rddreg [dreg:$0xd];
	s9 =	sadd.s32 s17, s31  }
0xdc: {  	[tilespmem:s16], [sflag:$0x2] =	stream.linear.gather [hbm4b:s9+s4], $0x58, $0x38;
	[tilespmem:$0x1F480] =	vst v63  }
0xdd: {  	s1 =	sadd.s32 s17, s6;
	s31 =	rddreg [dreg:$0xc];
	s9 =	simm.s32 $0x200  }
0xde: {  	[tilespmem:s9], [sflag:$0x5] =	stream.linear.gather [hbm4b:s1+s4], $0x58, $0x38;
	[tilespmem:$0x1F480] =	vst v63  }
0xdf: {  	s6 =	rddreg [dreg:$0xb];
	s31 =	sadd.s32 s17, s31  }
0xe0: {  	[tilespmem:s18], [sflag:$0x3] =	stream.linear.gather [hbm4b:s31+s4], $0x58, $0x38;
	[tilespmem:$0x1F480] =	vst v63  }
0xe1: {  	s6 =	sadd.s32 s17, s6;
	s31 =	simm.s32 $0x280  }
0xe2: {  	[tilespmem:s31], [sflag:$0x6] =	stream.linear.gather [hbm4b:s6+s4], $0x58, $0x38;
	[tilespmem:$0x1F480] =	vst v63  }
0xe3: {  	_ =	swait.ge [sflag:s20], $0x58  }
0xe4: {  	[sflag:s20] =	ssyncset.done $0x0  }
0xe5: {  	[sflag:s20] =	ssyncadd.s32 $0xFFFFFFA8  }
0xe6: {  	[tilespmem:s22], [sflag:$0xA] =	stream.indirect.gather [hbm4b:s5+s21], $0x80, s4, s21, $0xb8;
	[tilespmem:$0x1F480] =	vst v63  }
0xe7: {  	_ =	swait.ge [sflag:s23], $0x58  }
0xe8: {  	[sflag:s23] =	ssyncset.done $0x0  }
0xe9: {  	[sflag:s23] =	ssyncadd.s32 $0xFFFFFFA8  }
0xea: {  	[tilespmem:s24], [sflag:$0xB] =	stream.indirect.gather [hbm4b:s5+s21], $0x80, s16, s21, $0xb8;
	[tilespmem:$0x1F480] =	vst v63  }
0xeb: {  	_ =	swait.ge [sflag:s25], $0x58  }
0xec: {  	[sflag:s25] =	ssyncset.done $0x0  }
0xed: {  	[sflag:s25] =	ssyncadd.s32 $0xFFFFFFA8  }
0xee: {  	[tilespmem:s26], [sflag:$0xC] =	stream.indirect.gather [hbm4b:s5+s21], $0x80, s18, s21, $0xb8;
	[tilespmem:$0x1F480] =	vst v63  }
0xef: {  	_ =	swait.ge [sflag:s28], $0x2C00  }
0xf0: {  	[sflag:s28] =	ssyncset.done $0x0  }
0xf1: {  	s6 =	simm.s32 $0x4;
	[sflag:s28] =	ssyncadd.s32 $0xFFFFD400  }
0xf2: {  	_ =	swait.ge [sflag:s6], $0x58  }
0xf3: {  	[sflag:s6] =	ssyncset.done $0x0  }
0xf4: {  	[sflag:s6] =	ssyncadd.s32 $0xFFFFFFA8  }
0xf5: {  	[spmem:s2] =	stream.indirect.scatter.add.f32 [tilespmem:s22], [sflag:$0xD], $0x80, s7, s21, $0xb8;
	[tilespmem:$0x1F480] =	vst v63  }
0xf6: {  	_ = 	snop  }
0xf7: {  	[spmem:s3] =	stream.indirect.scatter.add.f32 [tilespmem:s13], [sflag:$0x10], $0x80, s7, s21, $0xb8;
	[tilespmem:$0x1F480] =	vst v63  }
0xf8: {  	_ =	swait.ge [sflag:s30], $0x2C00  }
0xf9: {  	[sflag:s30] =	ssyncset.done $0x0  }
0xfa: {  	s7 =	simm.s32 $0x5;
	[sflag:s30] =	ssyncadd.s32 $0xFFFFD400  }
0xfb: {  	_ =	swait.ge [sflag:s7], $0x58  }
0xfc: {  	[sflag:s7] =	ssyncset.done $0x0  }
0xfd: {  	[sflag:s7] =	ssyncadd.s32 $0xFFFFFFA8  }
0xfe: {  	[spmem:s2] =	stream.indirect.scatter.add.f32 [tilespmem:s24], [sflag:$0xE], $0x80, s9, s21, $0xb8;
	[tilespmem:$0x1F480] =	vst v63  }
0xff: {  	_ = 	snop  }
0x100: {  	[spmem:s3] =	stream.indirect.scatter.add.f32 [tilespmem:s13], [sflag:$0x11], $0x80, s9, s21, $0xb8;
	[tilespmem:$0x1F480] =	vst v63  }
0x101: {  	_ =	swait.ge [sflag:s0], $0x2C00  }
0x102: {  	[sflag:s0] =	ssyncset.done $0x0  }
0x103: {  	s9 =	simm.s32 $0x6;
	[sflag:s0] =	ssyncadd.s32 $0xFFFFD400  }
0x104: {  	_ =	swait.ge [sflag:s9], $0x58  }
0x105: {  	[sflag:s9] =	ssyncset.done $0x0  }
0x106: {  	[sflag:s9] =	ssyncadd.s32 $0xFFFFFFA8  }
0x107: {  	[spmem:s2] =	stream.indirect.scatter.add.f32 [tilespmem:s26], [sflag:$0xF], $0x80, s31, s21, $0xb8;
	[tilespmem:$0x1F480] =	vst v63  }
0x108: {  	s6 =	rddreg [dreg:$0xa]  }
0x109: {  	[spmem:s3] =	stream.indirect.scatter.add.f32 [tilespmem:s13], [sflag:$0x12], $0x80, s31, s21, $0xb8;
	[tilespmem:$0x1F480] =	vst v63  }
0x10a: {  	s7 =	rddreg [dreg:$0x9];
	s1 =	sadd.s32 s17, s6  }
0x10b: {  	[tilespmem:s4], [sflag:$0x1] =	stream.linear.gather [hbm4b:s1+s4], $0x58, $0x38;
	[tilespmem:$0x1F480] =	vst v63  }
0x10c: {  	s9 =	sadd.s32 s17, s7;
	s7 =	simm.s32 $0x300;
	s31 =	rddreg [dreg:$0x8]  }
0x10d: {  	[tilespmem:s7], [sflag:$0x7] =	stream.linear.gather [hbm4b:s9+s4], $0x58, $0x38;
	[tilespmem:$0x1F480] =	vst v63  }
0x10e: {  	s6 =	rddreg [dreg:$0x7];
	s9 =	sadd.s32 s17, s31  }
0x10f: {  	[tilespmem:s16], [sflag:$0x2] =	stream.linear.gather [hbm4b:s9+s4], $0x58, $0x38;
	[tilespmem:$0x1F480] =	vst v63  }
0x110: {  	s1 =	sadd.s32 s17, s6;
	s31 =	rddreg [dreg:$0x6];
	s9 =	simm.s32 $0x380  }
0x111: {  	[tilespmem:s9], [sflag:$0x8] =	stream.linear.gather [hbm4b:s1+s4], $0x58, $0x38;
	[tilespmem:$0x1F480] =	vst v63  }
0x112: {  	s6 =	rddreg [dreg:$0x5];
	s31 =	sadd.s32 s17, s31  }
0x113: {  	[tilespmem:s18], [sflag:$0x3] =	stream.linear.gather [hbm4b:s31+s4], $0x58, $0x38;
	[tilespmem:$0x1F480] =	vst v63  }
0x114: {  	s6 =	sadd.s32 s17, s6  }
0x115: {  	[tilespmem:s10], [sflag:$0x9] =	stream.linear.gather [hbm4b:s6+s4], $0x58, $0x38;
	[tilespmem:$0x1F480] =	vst v63  }
0x116: {  	_ =	swait.ge [sflag:s20], $0x58  }
0x117: {  	[sflag:s20] =	ssyncset.done $0x0  }
0x118: {  	s31 =	simm.s32 $0xD;
	[sflag:s20] =	ssyncadd.s32 $0xFFFFFFA8  }
0x119: {  	_ =	swait.ge [sflag:s31], $0x2C00  }
0x11a: {  	[sflag:s31] =	ssyncset.done $0x0  }
0x11b: {  	[sflag:s31] =	ssyncadd.s32 $0xFFFFD400  }
0x11c: {  	[tilespmem:s22], [sflag:$0xA] =	stream.indirect.gather [hbm4b:s5+s21], $0x80, s4, s21, $0xb8;
	[tilespmem:$0x1F480] =	vst v63  }
0x11d: {  	_ =	swait.ge [sflag:s23], $0x58  }
0x11e: {  	[sflag:s23] =	ssyncset.done $0x0  }
0x11f: {  	[sflag:s23] =	ssyncadd.s32 $0xFFFFFFA8  }
0x120: {  	_ =	swait.ge [sflag:s11], $0x2C00  }
0x121: {  	[sflag:s11] =	ssyncset.done $0x0  }
0x122: {  	[sflag:s11] =	ssyncadd.s32 $0xFFFFD400  }
0x123: {  	[tilespmem:s24], [sflag:$0xB] =	stream.indirect.gather [hbm4b:s5+s21], $0x80, s16, s21, $0xb8;
	[tilespmem:$0x1F480] =	vst v63  }
0x124: {  	_ =	swait.ge [sflag:s25], $0x58  }
0x125: {  	[sflag:s25] =	ssyncset.done $0x0  }
0x126: {  	[sflag:s25] =	ssyncadd.s32 $0xFFFFFFA8  }
0x127: {  	_ =	swait.ge [sflag:s12], $0x2C00  }
0x128: {  	[sflag:s12] =	ssyncset.done $0x0  }
0x129: {  	[sflag:s12] =	ssyncadd.s32 $0xFFFFD400  }
0x12a: {  	[tilespmem:s26], [sflag:$0xC] =	stream.indirect.gather [hbm4b:s5+s21], $0x80, s18, s21, $0xb8;
	[tilespmem:$0x1F480] =	vst v63  }
0x12b: {  	_ =	swait.ge [sflag:s28], $0x2C00  }
0x12c: {  	[sflag:s28] =	ssyncset.done $0x0  }
0x12d: {  	[sflag:s28] =	ssyncadd.s32 $0xFFFFD400  }
0x12e: {  	_ =	swait.ge [sflag:s8], $0x58  }
0x12f: {  	[sflag:s8] =	ssyncset.done $0x0  }
0x130: {  	[sflag:s8] =	ssyncadd.s32 $0xFFFFFFA8  }
0x131: {  	[spmem:s2] =	stream.indirect.scatter.add.f32 [tilespmem:s22], [sflag:$0xD], $0x80, s7, s21, $0xb8;
	[tilespmem:$0x1F480] =	vst v63  }
0x132: {  	_ = 	snop  }
0x133: {  	[spmem:s3] =	stream.indirect.scatter.add.f32 [tilespmem:s13], [sflag:$0x13], $0x80, s7, s21, $0xb8;
	[tilespmem:$0x1F480] =	vst v63  }
0x134: {  	_ =	swait.ge [sflag:s30], $0x2C00  }
0x135: {  	[sflag:s30] =	ssyncset.done $0x0  }
0x136: {  	[sflag:s30] =	ssyncadd.s32 $0xFFFFD400  }
0x137: {  	_ =	swait.ge [sflag:s14], $0x58  }
0x138: {  	[sflag:s14] =	ssyncset.done $0x0  }
0x139: {  	[sflag:s14] =	ssyncadd.s32 $0xFFFFFFA8  }
0x13a: {  	[spmem:s2] =	stream.indirect.scatter.add.f32 [tilespmem:s24], [sflag:$0xE], $0x80, s9, s21, $0xb8;
	[tilespmem:$0x1F480] =	vst v63  }
0x13b: {  	_ = 	snop  }
0x13c: {  	[spmem:s3] =	stream.indirect.scatter.add.f32 [tilespmem:s13], [sflag:$0x14], $0x80, s9, s21, $0xb8;
	[tilespmem:$0x1F480] =	vst v63  }
0x13d: {  	s29 =	smov.u32 s19;
	s19 =	sadd.s32 $0x42, s19;
	_ =	swait.ge [sflag:s0], $0x2C00  }
0x13e: {  	p0 =	sne.s32 s19, $0x4E6;
	[sflag:s0] =	ssyncset.done $0x0  }
.Ltmp0:
0x13f: {  	[sflag:s0] =	ssyncadd.s32 $0xFFFFD400;
	(pc) =	sbr.rel @p0 .LBB2_2-.Ltmp0, $4  }
0x140: {  	_ =	swait.ge [sflag:s15], $0x58  }
0x141: {  	s17 =	smov.u32 s29;
	[sflag:s15] =	ssyncset.done $0x0  }
0x142: {  	p1 =	seq.s32 s17, $0x0;
	[sflag:s15] =	ssyncadd.s32 $0xFFFFFFA8  }
0x143: {  	[spmem:s2] =	stream.indirect.scatter.add.f32 [tilespmem:s26], [sflag:$0xF], $0x80, s10, s21, $0xb8;
	[tilespmem:$0x1F480] =	vst v63  }
0x144: {  	s1 =	simm.s32 @!p1 $0x10;
	s10 =	simm.s32 $0x400  }
0x145: {  	[spmem:s3] =	stream.indirect.scatter.add.f32 [tilespmem:s13], [sflag:$0x15], $0x80, s10, s21, $0xb8;
	[tilespmem:$0x1F480] =	vst v63  }
0x146: {  	_ =	swait.ge @!p1 [sflag:s1], $0x2C00  }
0x147: {  	[sflag:s1] =	ssyncset.done @!p1 $0x0  }
0x148: {  	[sflag:s1] =	ssyncadd.s32 @!p1 $0xFFFFD400;
	s1 =	simm.s32 @!p1 $0x11  }
0x149: {  	_ =	swait.ge @!p1 [sflag:s1], $0x2C00  }
0x14a: {  	[sflag:s1] =	ssyncset.done @!p1 $0x0  }
0x14b: {  	[sflag:s1] =	ssyncadd.s32 @!p1 $0xFFFFD400;
	s1 =	simm.s32 @!p1 $0x12  }
0x14c: {  	_ =	swait.ge @!p1 [sflag:s1], $0x2C00  }
0x14d: {  	[sflag:s1] =	ssyncset.done @!p1 $0x0  }
0x14e: {  	[sflag:s1] =	ssyncadd.s32 @!p1 $0xFFFFD400;
	s1 =	simm.s32 @!p1 $0x13  }
0x14f: {  	_ =	swait.ge @!p1 [sflag:s1], $0x2C00  }
0x150: {  	[sflag:s1] =	ssyncset.done @!p1 $0x0  }
0x151: {  	[sflag:s1] =	ssyncadd.s32 @!p1 $0xFFFFD400;
	s1 =	simm.s32 @!p1 $0x14  }
0x152: {  	_ =	swait.ge @!p1 [sflag:s1], $0x2C00  }
0x153: {  	[sflag:s1] =	ssyncset.done @!p1 $0x0  }
0x154: {  	[sflag:s1] =	ssyncadd.s32 @!p1 $0xFFFFD400;
	s1 =	simm.s32 @!p1 $0x15  }
0x155: {  	_ =	swait.ge @!p1 [sflag:s1], $0x2C00  }
0x156: {  	[sflag:s1] =	ssyncset.done @!p1 $0x0  }
0x157: {  	[sflag:s1] =	ssyncadd.s32 @!p1 $0xFFFFD400;
	s1 =	simm.s32 @!p1 $0xD  }
0x158: {  	_ =	swait.ge @!p1 [sflag:s1], $0x2C00  }
0x159: {  	[sflag:s1] =	ssyncset.done @!p1 $0x0  }
0x15a: {  	[sflag:s1] =	ssyncadd.s32 @!p1 $0xFFFFD400;
	s1 =	simm.s32 @!p1 $0xE  }
0x15b: {  	_ =	swait.ge @!p1 [sflag:s1], $0x2C00  }
0x15c: {  	[sflag:s1] =	ssyncset.done @!p1 $0x0  }
0x15d: {  	[sflag:s1] =	ssyncadd.s32 @!p1 $0xFFFFD400;
	s1 =	simm.s32 @!p1 $0xF  }
0x15e: {  	_ =	swait.ge @!p1 [sflag:s1], $0x2C00  }
0x15f: {  	s6 =	rddreg [dreg:$0x10];
	[sflag:s1] =	ssyncset.done @!p1 $0x0  }
0x160: {  	s19 =	rddreg [dreg:$0xf];
	[sflag:s1] =	ssyncadd.s32 @!p1 $0xFFFFD400;
	s9 =	sadd.s32 s17, s6  }
0x161: {  	[tilespmem:s4], [sflag:$0x1] =	stream.linear.gather [hbm4b:s9+s4], $0x58, $0x38;
	[tilespmem:$0x1F480] =	vst v63  }
0x162: {  	s7 =	simm.s32 $0x180;
	s29 =	rddreg [dreg:$0xe];
	s31 =	sadd.s32 s17, s19  }
0x163: {  	[tilespmem:s7], [sflag:$0x4] =	stream.linear.gather [hbm4b:s31+s4], $0x58, $0x38;
	[tilespmem:$0x1F480] =	vst v63  }
0x164: {  	s1 =	sadd.s32 s17, s29;
	s9 =	rddreg [dreg:$0xd]  }
0x165: {  	[tilespmem:s16], [sflag:$0x2] =	stream.linear.gather [hbm4b:s1+s4], $0x58, $0x38;
	[tilespmem:$0x1F480] =	vst v63  }
0x166: {  	s19 =	rddreg [dreg:$0xc];
	s6 =	sadd.s32 s17, s9;
	s9 =	simm.s32 $0x200  }
0x167: {  	[tilespmem:s9], [sflag:$0x5] =	stream.linear.gather [hbm4b:s6+s4], $0x58, $0x38;
	[tilespmem:$0x1F480] =	vst v63  }
0x168: {  	s29 =	rddreg [dreg:$0xb];
	s1 =	sadd.s32 s17, s19  }
0x169: {  	[tilespmem:s18], [sflag:$0x3] =	stream.linear.gather [hbm4b:s1+s4], $0x58, $0x38;
	[tilespmem:$0x1F480] =	vst v63  }
0x16a: {  	s31 =	sadd.s32 s17, s29;
	s19 =	simm.s32 $0x280  }
0x16b: {  	[tilespmem:s19], [sflag:$0x6] =	stream.linear.gather [hbm4b:s31+s4], $0x58, $0x38;
	[tilespmem:$0x1F480] =	vst v63  }
0x16c: {  	_ =	swait.ge [sflag:s20], $0x58  }
0x16d: {  	[sflag:s20] =	ssyncset.done $0x0  }
0x16e: {  	[sflag:s20] =	ssyncadd.s32 $0xFFFFFFA8  }
0x16f: {  	[tilespmem:s22], [sflag:$0xA] =	stream.indirect.gather [hbm4b:s5+s21], $0x80, s4, s21, $0xb8;
	[tilespmem:$0x1F480] =	vst v63  }
0x170: {  	_ =	swait.ge [sflag:s23], $0x58  }
0x171: {  	[sflag:s23] =	ssyncset.done $0x0  }
0x172: {  	[sflag:s23] =	ssyncadd.s32 $0xFFFFFFA8  }
0x173: {  	[tilespmem:s24], [sflag:$0xB] =	stream.indirect.gather [hbm4b:s5+s21], $0x80, s16, s21, $0xb8;
	[tilespmem:$0x1F480] =	vst v63  }
0x174: {  	_ =	swait.ge [sflag:s25], $0x58  }
0x175: {  	[sflag:s25] =	ssyncset.done $0x0  }
0x176: {  	[sflag:s25] =	ssyncadd.s32 $0xFFFFFFA8  }
0x177: {  	[tilespmem:s26], [sflag:$0xC] =	stream.indirect.gather [hbm4b:s5+s21], $0x80, s18, s21, $0xb8;
	[tilespmem:$0x1F480] =	vst v63  }
0x178: {  	_ =	swait.ge [sflag:s28], $0x2C00  }
0x179: {  	[sflag:s28] =	ssyncset.done $0x0  }
0x17a: {  	s6 =	simm.s32 $0x4;
	[sflag:s28] =	ssyncadd.s32 $0xFFFFD400  }
0x17b: {  	_ =	swait.ge [sflag:s6], $0x58  }
0x17c: {  	[sflag:s6] =	ssyncset.done $0x0  }
0x17d: {  	[sflag:s6] =	ssyncadd.s32 $0xFFFFFFA8  }
0x17e: {  	[spmem:s2] =	stream.indirect.scatter.add.f32 [tilespmem:s22], [sflag:$0xD], $0x80, s7, s21, $0xb8;
	[tilespmem:$0x1F480] =	vst v63  }
0x17f: {  	_ = 	snop  }
0x180: {  	[spmem:s3] =	stream.indirect.scatter.add.f32 [tilespmem:s13], [sflag:$0x10], $0x80, s7, s21, $0xb8;
	[tilespmem:$0x1F480] =	vst v63  }
0x181: {  	_ =	swait.ge [sflag:s30], $0x2C00  }
0x182: {  	[sflag:s30] =	ssyncset.done $0x0  }
0x183: {  	s29 =	simm.s32 $0x5;
	[sflag:s30] =	ssyncadd.s32 $0xFFFFD400  }
0x184: {  	_ =	swait.ge [sflag:s29], $0x58  }
0x185: {  	[sflag:s29] =	ssyncset.done $0x0  }
0x186: {  	[sflag:s29] =	ssyncadd.s32 $0xFFFFFFA8  }
0x187: {  	[spmem:s2] =	stream.indirect.scatter.add.f32 [tilespmem:s24], [sflag:$0xE], $0x80, s9, s21, $0xb8;
	[tilespmem:$0x1F480] =	vst v63  }
0x188: {  	_ = 	snop  }
0x189: {  	[spmem:s3] =	stream.indirect.scatter.add.f32 [tilespmem:s13], [sflag:$0x11], $0x80, s9, s21, $0xb8;
	[tilespmem:$0x1F480] =	vst v63  }
0x18a: {  	_ =	swait.ge [sflag:s0], $0x2C00  }
0x18b: {  	[sflag:s0] =	ssyncset.done $0x0  }
0x18c: {  	s31 =	simm.s32 $0x6;
	[sflag:s0] =	ssyncadd.s32 $0xFFFFD400  }
0x18d: {  	_ =	swait.ge [sflag:s31], $0x58  }
0x18e: {  	[sflag:s31] =	ssyncset.done $0x0  }
0x18f: {  	[sflag:s31] =	ssyncadd.s32 $0xFFFFFFA8  }
0x190: {  	[spmem:s2] =	stream.indirect.scatter.add.f32 [tilespmem:s26], [sflag:$0xF], $0x80, s19, s21, $0xb8;
	[tilespmem:$0x1F480] =	vst v63  }
0x191: {  	s6 =	rddreg [dreg:$0xa]  }
0x192: {  	[spmem:s3] =	stream.indirect.scatter.add.f32 [tilespmem:s13], [sflag:$0x12], $0x80, s19, s21, $0xb8;
	[tilespmem:$0x1F480] =	vst v63  }
0x193: {  	s7 =	rddreg [dreg:$0x9];
	s1 =	sadd.s32 s17, s6  }
0x194: {  	[tilespmem:s4], [sflag:$0x1] =	stream.linear.gather [hbm4b:s1+s4], $0x58, $0x38;
	[tilespmem:$0x1F480] =	vst v63  }
0x195: {  	s9 =	rddreg [dreg:$0x8];
	s6 =	sadd.s32 s17, s7;
	s7 =	simm.s32 $0x300  }
0x196: {  	[tilespmem:s7], [sflag:$0x7] =	stream.linear.gather [hbm4b:s6+s4], $0x58, $0x38;
	[tilespmem:$0x1F480] =	vst v63  }
0x197: {  	s19 =	rddreg [dreg:$0x7];
	s1 =	sadd.s32 s17, s9  }
0x198: {  	[tilespmem:s16], [sflag:$0x2] =	stream.linear.gather [hbm4b:s1+s4], $0x58, $0x38;
	[tilespmem:$0x1F480] =	vst v63  }
0x199: {  	s29 =	rddreg [dreg:$0x6];
	s9 =	simm.s32 $0x380;
	s6 =	sadd.s32 s17, s19  }
0x19a: {  	[tilespmem:s9], [sflag:$0x8] =	stream.linear.gather [hbm4b:s6+s4], $0x58, $0x38;
	[tilespmem:$0x1F480] =	vst v63  }
0x19b: {  	s31 =	rddreg [dreg:$0x5];
	s1 =	sadd.s32 s17, s29  }
0x19c: {  	[tilespmem:s18], [sflag:$0x3] =	stream.linear.gather [hbm4b:s1+s4], $0x58, $0x38;
	[tilespmem:$0x1F480] =	vst v63  }
0x19d: {  	s19 =	sadd.s32 s17, s31  }
0x19e: {  	[tilespmem:s10], [sflag:$0x9] =	stream.linear.gather [hbm4b:s19+s4], $0x58, $0x38;
	[tilespmem:$0x1F480] =	vst v63  }
0x19f: {  	_ =	swait.ge [sflag:s20], $0x58  }
0x1a0: {  	[sflag:s20] =	ssyncset.done $0x0  }
0x1a1: {  	s29 =	simm.s32 $0xD;
	[sflag:s20] =	ssyncadd.s32 $0xFFFFFFA8  }
0x1a2: {  	_ =	swait.ge [sflag:s29], $0x2C00  }
0x1a3: {  	[sflag:s29] =	ssyncset.done $0x0  }
0x1a4: {  	[sflag:s29] =	ssyncadd.s32 $0xFFFFD400  }
0x1a5: {  	[tilespmem:s22], [sflag:$0xA] =	stream.indirect.gather [hbm4b:s5+s21], $0x80, s4, s21, $0xb8;
	[tilespmem:$0x1F480] =	vst v63  }
0x1a6: {  	_ =	swait.ge [sflag:s23], $0x58  }
0x1a7: {  	[sflag:s23] =	ssyncset.done $0x0  }
0x1a8: {  	[sflag:s23] =	ssyncadd.s32 $0xFFFFFFA8  }
0x1a9: {  	_ =	swait.ge [sflag:s11], $0x2C00  }
0x1aa: {  	[sflag:s11] =	ssyncset.done $0x0  }
0x1ab: {  	[sflag:s11] =	ssyncadd.s32 $0xFFFFD400  }
0x1ac: {  	[tilespmem:s24], [sflag:$0xB] =	stream.indirect.gather [hbm4b:s5+s21], $0x80, s16, s21, $0xb8;
	[tilespmem:$0x1F480] =	vst v63  }
0x1ad: {  	_ =	swait.ge [sflag:s25], $0x58  }
0x1ae: {  	[sflag:s25] =	ssyncset.done $0x0  }
0x1af: {  	[sflag:s25] =	ssyncadd.s32 $0xFFFFFFA8  }
0x1b0: {  	_ =	swait.ge [sflag:s12], $0x2C00  }
0x1b1: {  	[sflag:s12] =	ssyncset.done $0x0  }
0x1b2: {  	[sflag:s12] =	ssyncadd.s32 $0xFFFFD400  }
0x1b3: {  	[tilespmem:s26], [sflag:$0xC] =	stream.indirect.gather [hbm4b:s5+s21], $0x80, s18, s21, $0xb8;
	[tilespmem:$0x1F480] =	vst v63  }
0x1b4: {  	_ =	swait.ge [sflag:s28], $0x2C00  }
0x1b5: {  	[sflag:s28] =	ssyncset.done $0x0  }
0x1b6: {  	[sflag:s28] =	ssyncadd.s32 $0xFFFFD400  }
0x1b7: {  	_ =	swait.ge [sflag:s8], $0x58  }
0x1b8: {  	[sflag:s8] =	ssyncset.done $0x0  }
0x1b9: {  	[sflag:s8] =	ssyncadd.s32 $0xFFFFFFA8  }
0x1ba: {  	[spmem:s2] =	stream.indirect.scatter.add.f32 [tilespmem:s22], [sflag:$0xD], $0x80, s7, s21, $0xb8;
	[tilespmem:$0x1F480] =	vst v63  }
0x1bb: {  	_ = 	snop  }
0x1bc: {  	[spmem:s3] =	stream.indirect.scatter.add.f32 [tilespmem:s13], [sflag:$0x13], $0x80, s7, s21, $0xb8;
	[tilespmem:$0x1F480] =	vst v63  }
0x1bd: {  	_ =	swait.ge [sflag:s30], $0x2C00  }
0x1be: {  	[sflag:s30] =	ssyncset.done $0x0  }
0x1bf: {  	[sflag:s30] =	ssyncadd.s32 $0xFFFFD400  }
0x1c0: {  	_ =	swait.ge [sflag:s14], $0x58  }
0x1c1: {  	[sflag:s14] =	ssyncset.done $0x0  }
0x1c2: {  	[sflag:s14] =	ssyncadd.s32 $0xFFFFFFA8  }
0x1c3: {  	[spmem:s2] =	stream.indirect.scatter.add.f32 [tilespmem:s24], [sflag:$0xE], $0x80, s9, s21, $0xb8;
	[tilespmem:$0x1F480] =	vst v63  }
0x1c4: {  	_ = 	snop  }
0x1c5: {  	[spmem:s3] =	stream.indirect.scatter.add.f32 [tilespmem:s13], [sflag:$0x14], $0x80, s9, s21, $0xb8;
	[tilespmem:$0x1F480] =	vst v63  }
0x1c6: {  	_ =	swait.ge [sflag:s0], $0x2C00  }
0x1c7: {  	[sflag:s0] =	ssyncset.done $0x0  }
0x1c8: {  	[sflag:s0] =	ssyncadd.s32 $0xFFFFD400  }
0x1c9: {  	_ =	swait.ge [sflag:s15], $0x58  }
0x1ca: {  	[sflag:s15] =	ssyncset.done $0x0  }
0x1cb: {  	[sflag:s15] =	ssyncadd.s32 $0xFFFFFFA8  }
0x1cc: {  	[spmem:s2] =	stream.indirect.scatter.add.f32 [tilespmem:s26], [sflag:$0xF], $0x80, s10, s21, $0xb8;
	[tilespmem:$0x1F480] =	vst v63  }
0x1cd: {  	s31 =	simm.s32 $0x10  }
0x1ce: {  	[spmem:s3] =	stream.indirect.scatter.add.f32 [tilespmem:s13], [sflag:$0x15], $0x80, s10, s21, $0xb8;
	[tilespmem:$0x1F480] =	vst v63  }
0x1cf: {  	_ =	swait.ge [sflag:s31], $0x2C00  }
0x1d0: {  	[sflag:s31] =	ssyncset.done $0x0  }
0x1d1: {  	s7 =	simm.s32 $0x11;
	[sflag:s31] =	ssyncadd.s32 $0xFFFFD400  }
0x1d2: {  	_ =	swait.ge [sflag:s7], $0x2C00  }
0x1d3: {  	[sflag:s7] =	ssyncset.done $0x0  }
0x1d4: {  	s9 =	simm.s32 $0x12;
	[sflag:s7] =	ssyncadd.s32 $0xFFFFD400  }
0x1d5: {  	_ =	swait.ge [sflag:s9], $0x2C00  }
0x1d6: {  	[sflag:s9] =	ssyncset.done $0x0  }
0x1d7: {  	s10 =	simm.s32 $0x13;
	[sflag:s9] =	ssyncadd.s32 $0xFFFFD400  }
0x1d8: {  	_ =	swait.ge [sflag:s10], $0x2C00  }
0x1d9: {  	[sflag:s10] =	ssyncset.done $0x0  }
0x1da: {  	s17 =	simm.s32 $0x14;
	[sflag:s10] =	ssyncadd.s32 $0xFFFFD400  }
0x1db: {  	_ =	swait.ge [sflag:s17], $0x2C00  }
0x1dc: {  	[sflag:s17] =	ssyncset.done $0x0  }
0x1dd: {  	s19 =	simm.s32 $0x15;
	[sflag:s17] =	ssyncadd.s32 $0xFFFFD400  }
0x1de: {  	_ =	swait.ge [sflag:s19], $0x2C00  }
0x1df: {  	[sflag:s19] =	ssyncset.done $0x0  }
0x1e0: {  	[sflag:s19] =	ssyncadd.s32 $0xFFFFD400  }
0x1e1: {  	_ =	swait.ge [sflag:s29], $0x2C00  }
0x1e2: {  	[sflag:s29] =	ssyncset.done $0x0  }
0x1e3: {  	[sflag:s29] =	ssyncadd.s32 $0xFFFFD400  }
0x1e4: {  	_ =	swait.ge [sflag:s11], $0x2C00  }
0x1e5: {  	[sflag:s11] =	ssyncset.done $0x0  }
0x1e6: {  	[sflag:s11] =	ssyncadd.s32 $0xFFFFD400  }
0x1e7: {  	_ =	swait.ge [sflag:s12], $0x2C00  }
0x1e8: {  	[sflag:s12] =	ssyncset.done $0x0  }
0x1e9: {  	[sflag:s12] =	ssyncadd.s32 $0xFFFFD400  }
0x1ea: {  	[bflag:$0x0] =	sbarrier.arrive $0xFFFF  }
0x1eb: {  	s29 =	rddreg [dreg:$0x15]  }
0x1ec: {  	s31 =	rddreg [dreg:$0x19]  }
0x1ed: {  	s19 =	simm.s32 $0x16;
	s9 =	rddreg [dreg:$0x1a]  }
0x1ee: {  	[hbm:s29], [sflag:s31] =	dma.local [spmem:s9], $0x1400  }
0x1ef: {  	_ =	swait.ge [sflag:s19], $0x1400  }
0x1f0: {  	[sflag:s19] =	ssyncset.done $0x0;
	s10 =	rddreg [dreg:$0x16]  }
0x1f1: {  	s17 =	rddreg [dreg:$0x1b];
	[sflag:s19] =	ssyncadd.s32 $0xFFFFEC00  }
0x1f2: {  	[hbm:s10], [sflag:s31] =	dma.local [spmem:s17], $0x1400  }
0x1f3: {  	_ =	swait.ge [sflag:s19], $0x1400  }
0x1f4: {  	s29 =	rddreg [dreg:$0x18]  }
0x1f5: {  	s31 =	rddreg [dreg:$0x17];
	s6 =	sadd.s32 $0x1, s29  }
0x1f6: {  	p0 =	sne.s32 s6, s31  }
.Ltmp1:
0x1f7: {  	_ = 	snop;
	(pc) =	sbr.rel @p0 .LBB2_1-.Ltmp1, $3  }
0x1f8: {  	_ =	sdelay $0x1  }
0x1f9: {  	[sflag:s19] =	ssyncset.done $0x0  }
0x1fa: {  	[sflag:s19] =	ssyncadd.s32 $0xFFFFEC00  }
0x1fb: {  	_ =	sfence.sel $0x180000  }
0x1fc: {  	[bflag:$0x0] =	sbarrier.arrive $0xFFFF  }
0x1fd: {  	_ =	strace $0x90000047  }
0x1fe: {  	s0 =	stileid.u32;
	[bflag:$0x2] =	sbarrier.arrive $0xFFFF  }
0x1ff: {  	p0 =	sne.s32 s0, $0x0;
	s0 =	rddreg [dreg:$0x4]  }
0x200: {  	s0 =	sadd.s32 @!p0 $0x100000, s0  }
0x201: {  	[sflag:s0] =	ssyncadd.tile.s32 @!p0 $0x1;
	_ =	shalt  }
.Lfunc_end2:
_tile_overlayer_lowered:
.L_overlay_start_2:
0x202: {  	(tag) =	ssettag $0x2  }
0x203: {  	s0 =	rddreg [dreg:$0x0];
	s2 =	stileid.u32  }
0x204: {  	s1 =	rddreg [dreg:$0x1];
	p0 =	sne.s32 s2, $0x0  }
0x205: {  	s3 =	rddreg [dreg:$0x2];
	[bflag:$0x3] =	sbarrier.arrive $0xFFFF;
	s2 =	simm.s32 @!p0 $0x1C16  }
0x206: {  	[timem:s3], [sflag:s2] =	dma.local @!p0 [hbm:s0], s1  }
0x207: {  	s0 =	simm.s32 @!p0 $0x16  }
0x208: {  	_ =	swait.ge @!p0 [sflag:s0], s1  }
0x209: {  	s1 =	ssub.s32 @!p0 $0x0, s1;
	[sflag:s0] =	ssyncset.done @!p0 $0x0  }
0x20a: {  	[sflag:s0] =	ssyncadd.s32 @!p0 s1  }
0x20b: {  	[bflag:$0x3] =	sbarrier.arrive $0xFFFF  }
0x20c: {  	_ =	shalt  }

</sc_bundles>
